<compile_context>
chip_gen: v7x
topology: tpu7x:2x2x1
jax: 0.10.2.dev20260603
libtpu: 0.0.44.dev20260713+nightly
codegen_flags: <defaults>
</compile_context>

<pallas_src>
import functools

import jax
import jax.numpy as jnp
from jax import lax
from jax.experimental import pallas as pl
from jax.experimental.pallas import tpu as pltpu
from jax.experimental.pallas import tpu_sc as plsc

N_NODES = 10000
N_EDGES = 320000
D_FEAT = 128

NC = 2
NS = 16
NW = NC * NS

CHUNK = 128
NCHUNK = 80
E_TILE = CHUNK * NCHUNK
E_PAD = NW * E_TILE

ROWS_TILE = 632
ACC_ROWS = NS * ROWS_TILE

_mesh = plsc.VectorSubcoreMesh(core_axis_name="c", subcore_axis_name="s",
                               num_cores=NC, num_subcores=NS)


@functools.partial(
    pl.kernel,
    mesh=_mesh,
    out_type=jax.ShapeDtypeStruct((NC, ACC_ROWS, D_FEAT), jnp.float32),
    scratch_types=[
        pltpu.VMEM((NCHUNK // 2, CHUNK), jnp.int32),
        pltpu.VMEM((NCHUNK // 2, CHUNK), jnp.int32),
        pltpu.VMEM((CHUNK, D_FEAT), jnp.float32),
        pltpu.VMEM((CHUNK, D_FEAT), jnp.float32),
        pltpu.VMEM_SHARED((ACC_ROWS, D_FEAT), jnp.float32),
        pltpu.SemaphoreType.DMA,
        pltpu.SemaphoreType.DMA,
        pltpu.SemaphoreType.DMA,
        pltpu.SemaphoreType.DMA,
    ],
)
def _scatter_partials(x_hbm, src_hbm, dst_hbm, zeros_hbm, out_hbm,
                      src_v, dst_v, buf0, buf1, acc, sem0, sem1, sem2, sem3):
    c = lax.axis_index("c")
    s = lax.axis_index("s")
    wid = s * NC + c

    pltpu.sync_copy(zeros_hbm, buf0)
    base = s * ROWS_TILE
    for r in range(0, 512, CHUNK):
        pltpu.sync_copy(buf0, acc.at[pl.ds(base + r, CHUNK)])
    tail = ROWS_TILE - 512
    pltpu.sync_copy(buf0.at[pl.ds(0, tail)], acc.at[pl.ds(base + 512, tail)])
    plsc.subcore_barrier()

    def body(j, carry):
        j0 = 2 * j
        g0 = pltpu.async_copy(x_hbm.at[src_v.at[j0]], buf0, sem0)
        g1 = pltpu.async_copy(x_hbm.at[src_v.at[j0 + 1]], buf1, sem1)
        g0.wait()
        s0 = pltpu.async_copy(buf0, acc.at[dst_v.at[j0]], sem2, add=True)
        g1.wait()
        s1 = pltpu.async_copy(buf1, acc.at[dst_v.at[j0 + 1]], sem3, add=True)
        s0.wait()
        s1.wait()
        return carry

    half = NCHUNK // 2
    for h in range(2):
        pltpu.sync_copy(src_hbm.at[wid].at[pl.ds(h * half, half)], src_v)
        pltpu.sync_copy(dst_hbm.at[wid].at[pl.ds(h * half, half)], dst_v)
        lax.fori_loop(0, half // 2, body, 0)
    plsc.subcore_barrier()

    for r in range(0, 512, CHUNK):
        pltpu.sync_copy(acc.at[pl.ds(base + r, CHUNK)], buf0)
        pltpu.sync_copy(buf0, out_hbm.at[c].at[pl.ds(base + r, CHUNK)])
    pltpu.sync_copy(acc.at[pl.ds(base + 512, tail)], buf1.at[pl.ds(0, tail)])
    pltpu.sync_copy(buf1.at[pl.ds(0, tail)],
                    out_hbm.at[c].at[pl.ds(base + 512, tail)])


_BLK = 1000


def _combine_body(scale_ref, x_ref, p_ref, o_ref):
    o_ref[...] = scale_ref[0, 0] * x_ref[...] + p_ref[0] + p_ref[1]


def _combine(scale, x, partials):
    return pl.pallas_call(
        _combine_body,
        grid=(N_NODES // _BLK,),
        in_specs=[
            pl.BlockSpec(memory_space=pltpu.SMEM),
            pl.BlockSpec((_BLK, D_FEAT), lambda i: (i, 0)),
            pl.BlockSpec((NC, _BLK, D_FEAT), lambda i: (0, i, 0)),
        ],
        out_specs=pl.BlockSpec((_BLK, D_FEAT), lambda i: (i, 0)),
        out_shape=jax.ShapeDtypeStruct((N_NODES, D_FEAT), jnp.float32),
    )(scale, x, partials)


@jax.jit
def kernel(x, edge_index, eps):
    src = edge_index[0]
    dst = edge_index[1]
    pad = E_PAD - N_EDGES
    src_p = jnp.concatenate(
        [src, jnp.zeros((pad,), jnp.int32)]).reshape(NW, NCHUNK, CHUNK)
    pad_dst = N_NODES + (jnp.arange(pad, dtype=jnp.int32) % (ACC_ROWS - N_NODES))
    dst_p = jnp.concatenate([dst, pad_dst]).reshape(NW, NCHUNK, CHUNK)
    zeros = jnp.zeros((CHUNK, D_FEAT), jnp.float32)
    partials = _scatter_partials(x, src_p, dst_p, zeros)
    scale = (1.0 + eps).reshape(1, 1).astype(jnp.float32)
    return _combine(scale, x, partials)

# --- scband reference (transcript-rebuilt; emitter-appended) ---
"""Pipeline reference for scband-ginconv-57312043597895 (READ-ONLY COPY).

The authoritative reference and input builder live on the scoring server;
editing this copy changes nothing except your own understanding.
"""

import jax, jax.numpy as jnp
import numpy as np

N_NODES = 10000
N_EDGES = 320000
D_FEAT = 128


def setup_inputs(seed: int = 0) -> dict:
    key = jax.random.key(seed)
    k1, k2 = jax.random.split(key, 2)
    x = jax.random.normal(k1, (N_NODES, D_FEAT), dtype=jnp.float32)
    edge_index = jax.random.randint(k2, (2, N_EDGES), 0, N_NODES, dtype=jnp.int32)
    # eps parameter (init_eps=0, learn_eps=False -> constant but materialized as a param)
    eps = jnp.zeros((1,), dtype=jnp.float32)
    return {"x": x, "edge_index": edge_index, "eps": eps}


def reference(x, edge_index, eps):
    # GINConv with 'sum' aggregator and apply_func=None:
    #   h_i' = (1 + eps) * h_i + sum_{j in N(i)} h_j
    src = edge_index[0]
    dst = edge_index[1]
    # message: copy source node features along each edge (gather)
    msgs = jnp.take(x, src, axis=0)
    # reduce: sum messages into destination nodes (scatter-add / segment_sum)
    neigh = jax.ops.segment_sum(msgs, dst, num_segments=N_NODES)
    rst = (1.0 + eps) * x + neigh
    return rst

if __name__ == "__main__":
    import jax
    _d = setup_inputs()
    print(jax.jit(kernel)(*tuple(_d.values())))

</pallas_src>

<mosaic_0001>
#map = affine_map<(d0, d1) -> (0, 0)>
#map1 = affine_map<(d0, d1) -> (0, 0, 0)>
module attributes {stable_mosaic.version = 14 : i64} {
  func.func @_scatter_partials(%arg0: i32, %arg1: i32, %arg2: memref<10000x128xf32, #tpu.memory_space<hbm>>, %arg3: memref<32x80x128xi32, #tpu.memory_space<hbm>>, %arg4: memref<32x80x128xi32, #tpu.memory_space<hbm>>, %arg5: memref<128x128xf32, #tpu.memory_space<hbm>>, %arg6: memref<2x10112x128xf32, #tpu.memory_space<hbm>>, %arg7: memref<40x128xi32, #tpu.memory_space<vmem>>, %arg8: memref<40x128xi32, #tpu.memory_space<vmem>>, %arg9: memref<128x128xf32, #tpu.memory_space<vmem>>, %arg10: memref<128x128xf32, #tpu.memory_space<vmem>>, %arg11: memref<10112x128xf32, #tpu.memory_space<vmem_shared>>, %arg12: memref<!tpu.dma_semaphore, #tpu.memory_space<semaphore_mem>>, %arg13: memref<!tpu.dma_semaphore, #tpu.memory_space<semaphore_mem>>, %arg14: memref<!tpu.dma_semaphore, #tpu.memory_space<semaphore_mem>>, %arg15: memref<!tpu.dma_semaphore, #tpu.memory_space<semaphore_mem>>) attributes {dimension_semantics = [#tpu.dimension_semantics<core_parallel>, #tpu.dimension_semantics<subcore_parallel>], iteration_bounds = array<i64: 2, 16>, scalar_prefetch = 0 : i64, scratch_operands = 9 : i64, tpu.core_type = #tpu.core_type<sc_vector_subcore>, window_params = [{transform_indices = #map}, {transform_indices = #map1}, {transform_indices = #map1}, {transform_indices = #map}, {transform_indices = #map1}]} {
    %mul3A = arith.constant 2 : i32
    %mul3A_0 = arith.muli %arg1, %mul3A : i32
    %add3A = arith.addi %mul3A_0, %arg0 : i32
    "tpu.region"() ({
      %run_scoped3A = tpu.sem_alloc : memref<!tpu.dma_semaphore, #tpu.memory_space<semaphore_mem>>
      tpu.enqueue_dma source(%arg5 : memref<128x128xf32, #tpu.memory_space<hbm>>) target(%arg9 : memref<128x128xf32, #tpu.memory_space<vmem>>) target_semaphore(%run_scoped3A : memref<!tpu.dma_semaphore, #tpu.memory_space<semaphore_mem>>)
      tpu.wait_dma2 semaphore(%run_scoped3A : memref<!tpu.dma_semaphore, #tpu.memory_space<semaphore_mem>>) src(%arg5 : memref<128x128xf32, #tpu.memory_space<hbm>>) dst(%arg9 : memref<128x128xf32, #tpu.memory_space<vmem>>)
      tpu.yield
    }) : () -> ()
    %mul3A_1 = arith.constant 632 : i32
    %mul3A_2 = arith.muli %arg1, %mul3A_1 : i32
    %add3A_3 = arith.constant 0 : i32
    %add3A_4 = arith.addi %mul3A_2, %add3A_3 : i32
    "tpu.region"() ({
      %run_scoped3A = tpu.sem_alloc : memref<!tpu.dma_semaphore, #tpu.memory_space<semaphore_mem>>
      %dma_start3A = arith.constant 0 : i32
      %dma_start3A_45 = tpu.memref_slice %arg11[%add3A_4, %dma_start3A] : memref<10112x128xf32, #tpu.memory_space<vmem_shared>> -> memref<128x128xf32, #tpu.memory_space<vmem_shared>>
      %dma_start3A_46 = arith.constant 0 : i32
      %dma_start3A_47 = tpu.memref_slice %arg11[%add3A_4, %dma_start3A_46] : memref<10112x128xf32, #tpu.memory_space<vmem_shared>> -> memref<128x128xf32, #tpu.memory_space<vmem_shared>>
      tpu.enqueue_dma source(%arg9 : memref<128x128xf32, #tpu.memory_space<vmem>>) target(%dma_start3A_47 : memref<128x128xf32, #tpu.memory_space<vmem_shared>>) target_semaphore(%run_scoped3A : memref<!tpu.dma_semaphore, #tpu.memory_space<semaphore_mem>>)
      %dma_wait3A = arith.constant 0 : i32
      %dma_wait3A_48 = tpu.memref_slice %arg11[%add3A_4, %dma_wait3A] : memref<10112x128xf32, #tpu.memory_space<vmem_shared>> -> memref<128x128xf32, #tpu.memory_space<vmem_shared>>
      %dma_wait3A_49 = arith.constant 0 : i32
      %dma_wait3A_50 = tpu.memref_slice %arg11[%add3A_4, %dma_wait3A_49] : memref<10112x128xf32, #tpu.memory_space<vmem_shared>> -> memref<128x128xf32, #tpu.memory_space<vmem_shared>>
      tpu.wait_dma2 semaphore(%run_scoped3A : memref<!tpu.dma_semaphore, #tpu.memory_space<semaphore_mem>>) src(%arg9 : memref<128x128xf32, #tpu.memory_space<vmem>>) dst(%dma_wait3A_50 : memref<128x128xf32, #tpu.memory_space<vmem_shared>>)
      tpu.yield
    }) : () -> ()
    %add3A_5 = arith.constant 128 : i32
    %add3A_6 = arith.addi %mul3A_2, %add3A_5 : i32
    "tpu.region"() ({
      %run_scoped3A = tpu.sem_alloc : memref<!tpu.dma_semaphore, #tpu.memory_space<semaphore_mem>>
      %dma_start3A = arith.constant 0 : i32
      %dma_start3A_45 = tpu.memref_slice %arg11[%add3A_6, %dma_start3A] : memref<10112x128xf32, #tpu.memory_space<vmem_shared>> -> memref<128x128xf32, #tpu.memory_space<vmem_shared>>
      %dma_start3A_46 = arith.constant 0 : i32
      %dma_start3A_47 = tpu.memref_slice %arg11[%add3A_6, %dma_start3A_46] : memref<10112x128xf32, #tpu.memory_space<vmem_shared>> -> memref<128x128xf32, #tpu.memory_space<vmem_shared>>
      tpu.enqueue_dma source(%arg9 : memref<128x128xf32, #tpu.memory_space<vmem>>) target(%dma_start3A_47 : memref<128x128xf32, #tpu.memory_space<vmem_shared>>) target_semaphore(%run_scoped3A : memref<!tpu.dma_semaphore, #tpu.memory_space<semaphore_mem>>)
      %dma_wait3A = arith.constant 0 : i32
      %dma_wait3A_48 = tpu.memref_slice %arg11[%add3A_6, %dma_wait3A] : memref<10112x128xf32, #tpu.memory_space<vmem_shared>> -> memref<128x128xf32, #tpu.memory_space<vmem_shared>>
      %dma_wait3A_49 = arith.constant 0 : i32
      %dma_wait3A_50 = tpu.memref_slice %arg11[%add3A_6, %dma_wait3A_49] : memref<10112x128xf32, #tpu.memory_space<vmem_shared>> -> memref<128x128xf32, #tpu.memory_space<vmem_shared>>
      tpu.wait_dma2 semaphore(%run_scoped3A : memref<!tpu.dma_semaphore, #tpu.memory_space<semaphore_mem>>) src(%arg9 : memref<128x128xf32, #tpu.memory_space<vmem>>) dst(%dma_wait3A_50 : memref<128x128xf32, #tpu.memory_space<vmem_shared>>)
      tpu.yield
    }) : () -> ()
    %add3A_7 = arith.constant 256 : i32
    %add3A_8 = arith.addi %mul3A_2, %add3A_7 : i32
    "tpu.region"() ({
      %run_scoped3A = tpu.sem_alloc : memref<!tpu.dma_semaphore, #tpu.memory_space<semaphore_mem>>
      %dma_start3A = arith.constant 0 : i32
      %dma_start3A_45 = tpu.memref_slice %arg11[%add3A_8, %dma_start3A] : memref<10112x128xf32, #tpu.memory_space<vmem_shared>> -> memref<128x128xf32, #tpu.memory_space<vmem_shared>>
      %dma_start3A_46 = arith.constant 0 : i32
      %dma_start3A_47 = tpu.memref_slice %arg11[%add3A_8, %dma_start3A_46] : memref<10112x128xf32, #tpu.memory_space<vmem_shared>> -> memref<128x128xf32, #tpu.memory_space<vmem_shared>>
      tpu.enqueue_dma source(%arg9 : memref<128x128xf32, #tpu.memory_space<vmem>>) target(%dma_start3A_47 : memref<128x128xf32, #tpu.memory_space<vmem_shared>>) target_semaphore(%run_scoped3A : memref<!tpu.dma_semaphore, #tpu.memory_space<semaphore_mem>>)
      %dma_wait3A = arith.constant 0 : i32
      %dma_wait3A_48 = tpu.memref_slice %arg11[%add3A_8, %dma_wait3A] : memref<10112x128xf32, #tpu.memory_space<vmem_shared>> -> memref<128x128xf32, #tpu.memory_space<vmem_shared>>
      %dma_wait3A_49 = arith.constant 0 : i32
      %dma_wait3A_50 = tpu.memref_slice %arg11[%add3A_8, %dma_wait3A_49] : memref<10112x128xf32, #tpu.memory_space<vmem_shared>> -> memref<128x128xf32, #tpu.memory_space<vmem_shared>>
      tpu.wait_dma2 semaphore(%run_scoped3A : memref<!tpu.dma_semaphore, #tpu.memory_space<semaphore_mem>>) src(%arg9 : memref<128x128xf32, #tpu.memory_space<vmem>>) dst(%dma_wait3A_50 : memref<128x128xf32, #tpu.memory_space<vmem_shared>>)
      tpu.yield
    }) : () -> ()
    %add3A_9 = arith.constant 384 : i32
    %add3A_10 = arith.addi %mul3A_2, %add3A_9 : i32
    "tpu.region"() ({
      %run_scoped3A = tpu.sem_alloc : memref<!tpu.dma_semaphore, #tpu.memory_space<semaphore_mem>>
      %dma_start3A = arith.constant 0 : i32
      %dma_start3A_45 = tpu.memref_slice %arg11[%add3A_10, %dma_start3A] : memref<10112x128xf32, #tpu.memory_space<vmem_shared>> -> memref<128x128xf32, #tpu.memory_space<vmem_shared>>
      %dma_start3A_46 = arith.constant 0 : i32
      %dma_start3A_47 = tpu.memref_slice %arg11[%add3A_10, %dma_start3A_46] : memref<10112x128xf32, #tpu.memory_space<vmem_shared>> -> memref<128x128xf32, #tpu.memory_space<vmem_shared>>
      tpu.enqueue_dma source(%arg9 : memref<128x128xf32, #tpu.memory_space<vmem>>) target(%dma_start3A_47 : memref<128x128xf32, #tpu.memory_space<vmem_shared>>) target_semaphore(%run_scoped3A : memref<!tpu.dma_semaphore, #tpu.memory_space<semaphore_mem>>)
      %dma_wait3A = arith.constant 0 : i32
      %dma_wait3A_48 = tpu.memref_slice %arg11[%add3A_10, %dma_wait3A] : memref<10112x128xf32, #tpu.memory_space<vmem_shared>> -> memref<128x128xf32, #tpu.memory_space<vmem_shared>>
      %dma_wait3A_49 = arith.constant 0 : i32
      %dma_wait3A_50 = tpu.memref_slice %arg11[%add3A_10, %dma_wait3A_49] : memref<10112x128xf32, #tpu.memory_space<vmem_shared>> -> memref<128x128xf32, #tpu.memory_space<vmem_shared>>
      tpu.wait_dma2 semaphore(%run_scoped3A : memref<!tpu.dma_semaphore, #tpu.memory_space<semaphore_mem>>) src(%arg9 : memref<128x128xf32, #tpu.memory_space<vmem>>) dst(%dma_wait3A_50 : memref<128x128xf32, #tpu.memory_space<vmem_shared>>)
      tpu.yield
    }) : () -> ()
    %add3A_11 = arith.constant 512 : i32
    %add3A_12 = arith.addi %mul3A_2, %add3A_11 : i32
    "tpu.region"() ({
      %run_scoped3A = tpu.sem_alloc : memref<!tpu.dma_semaphore, #tpu.memory_space<semaphore_mem>>
      %dma_start3A = arith.constant 0 : i32
      %dma_start3A_45 = arith.constant 0 : i32
      %dma_start3A_46 = tpu.memref_slice %arg9[%dma_start3A, %dma_start3A_45] : memref<128x128xf32, #tpu.memory_space<vmem>> -> memref<120x128xf32, #tpu.memory_space<vmem>>
      %dma_start3A_47 = arith.constant 0 : i32
      %dma_start3A_48 = tpu.memref_slice %arg11[%add3A_12, %dma_start3A_47] : memref<10112x128xf32, #tpu.memory_space<vmem_shared>> -> memref<120x128xf32, #tpu.memory_space<vmem_shared>>
      %dma_start3A_49 = arith.constant 0 : i32
      %dma_start3A_50 = tpu.memref_slice %arg11[%add3A_12, %dma_start3A_49] : memref<10112x128xf32, #tpu.memory_space<vmem_shared>> -> memref<120x128xf32, #tpu.memory_space<vmem_shared>>
      %dma_start3A_51 = arith.constant 0 : i32
      %dma_start3A_52 = arith.constant 0 : i32
      %dma_start3A_53 = tpu.memref_slice %arg9[%dma_start3A_51, %dma_start3A_52] : memref<128x128xf32, #tpu.memory_space<vmem>> -> memref<120x128xf32, #tpu.memory_space<vmem>>
      tpu.enqueue_dma source(%dma_start3A_53 : memref<120x128xf32, #tpu.memory_space<vmem>>) target(%dma_start3A_50 : memref<120x128xf32, #tpu.memory_space<vmem_shared>>) target_semaphore(%run_scoped3A : memref<!tpu.dma_semaphore, #tpu.memory_space<semaphore_mem>>)
      %dma_wait3A = arith.constant 0 : i32
      %dma_wait3A_54 = arith.constant 0 : i32
      %dma_wait3A_55 = tpu.memref_slice %arg9[%dma_wait3A, %dma_wait3A_54] : memref<128x128xf32, #tpu.memory_space<vmem>> -> memref<120x128xf32, #tpu.memory_space<vmem>>
      %dma_wait3A_56 = arith.constant 0 : i32
      %dma_wait3A_57 = tpu.memref_slice %arg11[%add3A_12, %dma_wait3A_56] : memref<10112x128xf32, #tpu.memory_space<vmem_shared>> -> memref<120x128xf32, #tpu.memory_space<vmem_shared>>
      %dma_wait3A_58 = arith.constant 0 : i32
      %dma_wait3A_59 = tpu.memref_slice %arg11[%add3A_12, %dma_wait3A_58] : memref<10112x128xf32, #tpu.memory_space<vmem_shared>> -> memref<120x128xf32, #tpu.memory_space<vmem_shared>>
      %dma_wait3A_60 = arith.constant 0 : i32
      %dma_wait3A_61 = arith.constant 0 : i32
      %dma_wait3A_62 = tpu.memref_slice %arg9[%dma_wait3A_60, %dma_wait3A_61] : memref<128x128xf32, #tpu.memory_space<vmem>> -> memref<120x128xf32, #tpu.memory_space<vmem>>
      tpu.wait_dma2 semaphore(%run_scoped3A : memref<!tpu.dma_semaphore, #tpu.memory_space<semaphore_mem>>) src(%dma_wait3A_62 : memref<120x128xf32, #tpu.memory_space<vmem>>) dst(%dma_wait3A_59 : memref<120x128xf32, #tpu.memory_space<vmem_shared>>)
      tpu.yield
    }) : () -> ()
    %barrier3A = arith.constant 0 : index
    tpu.barrier barrier_id(%barrier3A)
    "tpu.region"() ({
      %run_scoped3A = tpu.sem_alloc : memref<!tpu.dma_semaphore, #tpu.memory_space<semaphore_mem>>
      %dma_start3A = arith.constant 0 : i32
      %dma_start3A_45 = arith.constant 0 : i32
      %dma_start3A_46 = tpu.memref_slice %arg3[%add3A, %dma_start3A, %dma_start3A_45] : memref<32x80x128xi32, #tpu.memory_space<hbm>> -> memref<1x80x128xi32, #tpu.memory_space<hbm>>
      %dma_start3A_47 = tpu.memref_squeeze %dma_start3A_46 : memref<1x80x128xi32, #tpu.memory_space<hbm>> -> memref<80x128xi32, #tpu.memory_space<hbm>>
      %dma_start3A_48 = arith.constant 0 : i32
      %dma_start3A_49 = arith.constant 0 : i32
      %dma_start3A_50 = tpu.memref_slice %dma_start3A_47[%dma_start3A_48, %dma_start3A_49] : memref<80x128xi32, #tpu.memory_space<hbm>> -> memref<40x128xi32, #tpu.memory_space<hbm>>
      %dma_start3A_51 = arith.constant 0 : i32
      %dma_start3A_52 = arith.constant 0 : i32
      %dma_start3A_53 = tpu.memref_slice %arg3[%add3A, %dma_start3A_51, %dma_start3A_52] : memref<32x80x128xi32, #tpu.memory_space<hbm>> -> memref<1x80x128xi32, #tpu.memory_space<hbm>>
      %dma_start3A_54 = tpu.memref_squeeze %dma_start3A_53 : memref<1x80x128xi32, #tpu.memory_space<hbm>> -> memref<80x128xi32, #tpu.memory_space<hbm>>
      %dma_start3A_55 = arith.constant 0 : i32
      %dma_start3A_56 = arith.constant 0 : i32
      %dma_start3A_57 = tpu.memref_slice %dma_start3A_54[%dma_start3A_55, %dma_start3A_56] : memref<80x128xi32, #tpu.memory_space<hbm>> -> memref<40x128xi32, #tpu.memory_space<hbm>>
      tpu.enqueue_dma source(%dma_start3A_57 : memref<40x128xi32, #tpu.memory_space<hbm>>) target(%arg7 : memref<40x128xi32, #tpu.memory_space<vmem>>) target_semaphore(%run_scoped3A : memref<!tpu.dma_semaphore, #tpu.memory_space<semaphore_mem>>)
      %dma_wait3A = arith.constant 0 : i32
      %dma_wait3A_58 = arith.constant 0 : i32
      %dma_wait3A_59 = tpu.memref_slice %arg3[%add3A, %dma_wait3A, %dma_wait3A_58] : memref<32x80x128xi32, #tpu.memory_space<hbm>> -> memref<1x80x128xi32, #tpu.memory_space<hbm>>
      %dma_wait3A_60 = tpu.memref_squeeze %dma_wait3A_59 : memref<1x80x128xi32, #tpu.memory_space<hbm>> -> memref<80x128xi32, #tpu.memory_space<hbm>>
      %dma_wait3A_61 = arith.constant 0 : i32
      %dma_wait3A_62 = arith.constant 0 : i32
      %dma_wait3A_63 = tpu.memref_slice %dma_wait3A_60[%dma_wait3A_61, %dma_wait3A_62] : memref<80x128xi32, #tpu.memory_space<hbm>> -> memref<40x128xi32, #tpu.memory_space<hbm>>
      %dma_wait3A_64 = arith.constant 0 : i32
      %dma_wait3A_65 = arith.constant 0 : i32
      %dma_wait3A_66 = tpu.memref_slice %arg3[%add3A, %dma_wait3A_64, %dma_wait3A_65] : memref<32x80x128xi32, #tpu.memory_space<hbm>> -> memref<1x80x128xi32, #tpu.memory_space<hbm>>
      %dma_wait3A_67 = tpu.memref_squeeze %dma_wait3A_66 : memref<1x80x128xi32, #tpu.memory_space<hbm>> -> memref<80x128xi32, #tpu.memory_space<hbm>>
      %dma_wait3A_68 = arith.constant 0 : i32
      %dma_wait3A_69 = arith.constant 0 : i32
      %dma_wait3A_70 = tpu.memref_slice %dma_wait3A_67[%dma_wait3A_68, %dma_wait3A_69] : memref<80x128xi32, #tpu.memory_space<hbm>> -> memref<40x128xi32, #tpu.memory_space<hbm>>
      tpu.wait_dma2 semaphore(%run_scoped3A : memref<!tpu.dma_semaphore, #tpu.memory_space<semaphore_mem>>) src(%dma_wait3A_70 : memref<40x128xi32, #tpu.memory_space<hbm>>) dst(%arg7 : memref<40x128xi32, #tpu.memory_space<vmem>>)
      tpu.yield
    }) : () -> ()
    "tpu.region"() ({
      %run_scoped3A = tpu.sem_alloc : memref<!tpu.dma_semaphore, #tpu.memory_space<semaphore_mem>>
      %dma_start3A = arith.constant 0 : i32
      %dma_start3A_45 = arith.constant 0 : i32
      %dma_start3A_46 = tpu.memref_slice %arg4[%add3A, %dma_start3A, %dma_start3A_45] : memref<32x80x128xi32, #tpu.memory_space<hbm>> -> memref<1x80x128xi32, #tpu.memory_space<hbm>>
      %dma_start3A_47 = tpu.memref_squeeze %dma_start3A_46 : memref<1x80x128xi32, #tpu.memory_space<hbm>> -> memref<80x128xi32, #tpu.memory_space<hbm>>
      %dma_start3A_48 = arith.constant 0 : i32
      %dma_start3A_49 = arith.constant 0 : i32
      %dma_start3A_50 = tpu.memref_slice %dma_start3A_47[%dma_start3A_48, %dma_start3A_49] : memref<80x128xi32, #tpu.memory_space<hbm>> -> memref<40x128xi32, #tpu.memory_space<hbm>>
      %dma_start3A_51 = arith.constant 0 : i32
      %dma_start3A_52 = arith.constant 0 : i32
      %dma_start3A_53 = tpu.memref_slice %arg4[%add3A, %dma_start3A_51, %dma_start3A_52] : memref<32x80x128xi32, #tpu.memory_space<hbm>> -> memref<1x80x128xi32, #tpu.memory_space<hbm>>
      %dma_start3A_54 = tpu.memref_squeeze %dma_start3A_53 : memref<1x80x128xi32, #tpu.memory_space<hbm>> -> memref<80x128xi32, #tpu.memory_space<hbm>>
      %dma_start3A_55 = arith.constant 0 : i32
      %dma_start3A_56 = arith.constant 0 : i32
      %dma_start3A_57 = tpu.memref_slice %dma_start3A_54[%dma_start3A_55, %dma_start3A_56] : memref<80x128xi32, #tpu.memory_space<hbm>> -> memref<40x128xi32, #tpu.memory_space<hbm>>
      tpu.enqueue_dma source(%dma_start3A_57 : memref<40x128xi32, #tpu.memory_space<hbm>>) target(%arg8 : memref<40x128xi32, #tpu.memory_space<vmem>>) target_semaphore(%run_scoped3A : memref<!tpu.dma_semaphore, #tpu.memory_space<semaphore_mem>>)
      %dma_wait3A = arith.constant 0 : i32
      %dma_wait3A_58 = arith.constant 0 : i32
      %dma_wait3A_59 = tpu.memref_slice %arg4[%add3A, %dma_wait3A, %dma_wait3A_58] : memref<32x80x128xi32, #tpu.memory_space<hbm>> -> memref<1x80x128xi32, #tpu.memory_space<hbm>>
      %dma_wait3A_60 = tpu.memref_squeeze %dma_wait3A_59 : memref<1x80x128xi32, #tpu.memory_space<hbm>> -> memref<80x128xi32, #tpu.memory_space<hbm>>
      %dma_wait3A_61 = arith.constant 0 : i32
      %dma_wait3A_62 = arith.constant 0 : i32
      %dma_wait3A_63 = tpu.memref_slice %dma_wait3A_60[%dma_wait3A_61, %dma_wait3A_62] : memref<80x128xi32, #tpu.memory_space<hbm>> -> memref<40x128xi32, #tpu.memory_space<hbm>>
      %dma_wait3A_64 = arith.constant 0 : i32
      %dma_wait3A_65 = arith.constant 0 : i32
      %dma_wait3A_66 = tpu.memref_slice %arg4[%add3A, %dma_wait3A_64, %dma_wait3A_65] : memref<32x80x128xi32, #tpu.memory_space<hbm>> -> memref<1x80x128xi32, #tpu.memory_space<hbm>>
      %dma_wait3A_67 = tpu.memref_squeeze %dma_wait3A_66 : memref<1x80x128xi32, #tpu.memory_space<hbm>> -> memref<80x128xi32, #tpu.memory_space<hbm>>
      %dma_wait3A_68 = arith.constant 0 : i32
      %dma_wait3A_69 = arith.constant 0 : i32
      %dma_wait3A_70 = tpu.memref_slice %dma_wait3A_67[%dma_wait3A_68, %dma_wait3A_69] : memref<80x128xi32, #tpu.memory_space<hbm>> -> memref<40x128xi32, #tpu.memory_space<hbm>>
      tpu.wait_dma2 semaphore(%run_scoped3A : memref<!tpu.dma_semaphore, #tpu.memory_space<semaphore_mem>>) src(%dma_wait3A_70 : memref<40x128xi32, #tpu.memory_space<hbm>>) dst(%arg8 : memref<40x128xi32, #tpu.memory_space<vmem>>)
      tpu.yield
    }) : () -> ()
    %scan3A = arith.constant 0 : i32
    %scan3A_13 = arith.constant 0 : i32
    %scan3A_14 = arith.constant 20 : i32
    %scan3A_15 = arith.addi %scan3A_13, %scan3A_14 : i32
    %scan3A_16 = arith.constant 1 : i32
    scf.for %scan3A_45 = %scan3A_13 to %scan3A_15 step %scan3A_16  : i32 {
      %mul3A_46 = arith.constant 2 : i32
      %mul3A_47 = arith.muli %mul3A_46, %scan3A_45 : i32
      %dma_start3A = arith.constant 0 : i32
      %dma_start3A_48 = tpu.memref_slice %arg7[%mul3A_47, %dma_start3A] : memref<40x128xi32, #tpu.memory_space<vmem>> -> memref<1x128xi32, #tpu.memory_space<vmem>>
      %dma_start3A_49 = tpu.memref_squeeze %dma_start3A_48 : memref<1x128xi32, #tpu.memory_space<vmem>> -> memref<128xi32, #tpu.memory_space<vmem>>
      %dma_start3A_50 = arith.constant 0 : i32
      %dma_start3A_51 = arith.constant 0 : i32
      %dma_start3A_52 = tpu.memref_slice %arg2[%dma_start3A_50, %dma_start3A_51] : memref<10000x128xf32, #tpu.memory_space<hbm>> -> memref<10000x128xf32, #tpu.memory_space<hbm>>
      tpu.enqueue_indirect_dma source(%dma_start3A_52 : memref<10000x128xf32, #tpu.memory_space<hbm>>) target(%arg9 : memref<128x128xf32, #tpu.memory_space<vmem>>) offsets(%dma_start3A_49 : memref<128xi32, #tpu.memory_space<vmem>>) semaphore(%arg12 : memref<!tpu.dma_semaphore, #tpu.memory_space<semaphore_mem>>)
      %add3A_53 = arith.constant 1 : i32
      %add3A_54 = arith.addi %mul3A_47, %add3A_53 : i32
      %dma_start3A_55 = arith.constant 0 : i32
      %dma_start3A_56 = tpu.memref_slice %arg7[%add3A_54, %dma_start3A_55] : memref<40x128xi32, #tpu.memory_space<vmem>> -> memref<1x128xi32, #tpu.memory_space<vmem>>
      %dma_start3A_57 = tpu.memref_squeeze %dma_start3A_56 : memref<1x128xi32, #tpu.memory_space<vmem>> -> memref<128xi32, #tpu.memory_space<vmem>>
      %dma_start3A_58 = arith.constant 0 : i32
      %dma_start3A_59 = arith.constant 0 : i32
      %dma_start3A_60 = tpu.memref_slice %arg2[%dma_start3A_58, %dma_start3A_59] : memref<10000x128xf32, #tpu.memory_space<hbm>> -> memref<10000x128xf32, #tpu.memory_space<hbm>>
      tpu.enqueue_indirect_dma source(%dma_start3A_60 : memref<10000x128xf32, #tpu.memory_space<hbm>>) target(%arg10 : memref<128x128xf32, #tpu.memory_space<vmem>>) offsets(%dma_start3A_57 : memref<128xi32, #tpu.memory_space<vmem>>) semaphore(%arg13 : memref<!tpu.dma_semaphore, #tpu.memory_space<semaphore_mem>>)
      %dma_wait3A = arith.constant 0 : i32
      %dma_wait3A_61 = tpu.memref_slice %arg7[%mul3A_47, %dma_wait3A] : memref<40x128xi32, #tpu.memory_space<vmem>> -> memref<1x128xi32, #tpu.memory_space<vmem>>
      %dma_wait3A_62 = tpu.memref_squeeze %dma_wait3A_61 : memref<1x128xi32, #tpu.memory_space<vmem>> -> memref<128xi32, #tpu.memory_space<vmem>>
      %dma_wait3A_63 = arith.constant 0 : i32
      %dma_wait3A_64 = arith.constant 0 : i32
      %dma_wait3A_65 = tpu.memref_slice %arg2[%dma_wait3A_63, %dma_wait3A_64] : memref<10000x128xf32, #tpu.memory_space<hbm>> -> memref<10000x128xf32, #tpu.memory_space<hbm>>
      tpu.wait_indirect_dma semaphore(%arg12 : memref<!tpu.dma_semaphore, #tpu.memory_space<semaphore_mem>>) src(%dma_wait3A_65 : memref<10000x128xf32, #tpu.memory_space<hbm>>) dst(%arg9 : memref<128x128xf32, #tpu.memory_space<vmem>>)
      %dma_start3A_66 = arith.constant 0 : i32
      %dma_start3A_67 = tpu.memref_slice %arg8[%mul3A_47, %dma_start3A_66] : memref<40x128xi32, #tpu.memory_space<vmem>> -> memref<1x128xi32, #tpu.memory_space<vmem>>
      %dma_start3A_68 = tpu.memref_squeeze %dma_start3A_67 : memref<1x128xi32, #tpu.memory_space<vmem>> -> memref<128xi32, #tpu.memory_space<vmem>>
      %dma_start3A_69 = arith.constant 0 : i32
      %dma_start3A_70 = arith.constant 0 : i32
      %dma_start3A_71 = tpu.memref_slice %arg11[%dma_start3A_69, %dma_start3A_70] : memref<10112x128xf32, #tpu.memory_space<vmem_shared>> -> memref<10112x128xf32, #tpu.memory_space<vmem_shared>>
      tpu.enqueue_indirect_dma source(%arg9 : memref<128x128xf32, #tpu.memory_space<vmem>>) target(%dma_start3A_71 : memref<10112x128xf32, #tpu.memory_space<vmem_shared>>) offsets(%dma_start3A_68 : memref<128xi32, #tpu.memory_space<vmem>>) semaphore(%arg14 : memref<!tpu.dma_semaphore, #tpu.memory_space<semaphore_mem>>) {add = true}
      %dma_wait3A_72 = arith.constant 0 : i32
      %dma_wait3A_73 = tpu.memref_slice %arg7[%add3A_54, %dma_wait3A_72] : memref<40x128xi32, #tpu.memory_space<vmem>> -> memref<1x128xi32, #tpu.memory_space<vmem>>
      %dma_wait3A_74 = tpu.memref_squeeze %dma_wait3A_73 : memref<1x128xi32, #tpu.memory_space<vmem>> -> memref<128xi32, #tpu.memory_space<vmem>>
      %dma_wait3A_75 = arith.constant 0 : i32
      %dma_wait3A_76 = arith.constant 0 : i32
      %dma_wait3A_77 = tpu.memref_slice %arg2[%dma_wait3A_75, %dma_wait3A_76] : memref<10000x128xf32, #tpu.memory_space<hbm>> -> memref<10000x128xf32, #tpu.memory_space<hbm>>
      tpu.wait_indirect_dma semaphore(%arg13 : memref<!tpu.dma_semaphore, #tpu.memory_space<semaphore_mem>>) src(%dma_wait3A_77 : memref<10000x128xf32, #tpu.memory_space<hbm>>) dst(%arg10 : memref<128x128xf32, #tpu.memory_space<vmem>>)
      %add3A_78 = arith.constant 1 : i32
      %add3A_79 = arith.addi %mul3A_47, %add3A_78 : i32
      %dma_start3A_80 = arith.constant 0 : i32
      %dma_start3A_81 = tpu.memref_slice %arg8[%add3A_79, %dma_start3A_80] : memref<40x128xi32, #tpu.memory_space<vmem>> -> memref<1x128xi32, #tpu.memory_space<vmem>>
      %dma_start3A_82 = tpu.memref_squeeze %dma_start3A_81 : memref<1x128xi32, #tpu.memory_space<vmem>> -> memref<128xi32, #tpu.memory_space<vmem>>
      %dma_start3A_83 = arith.constant 0 : i32
      %dma_start3A_84 = arith.constant 0 : i32
      %dma_start3A_85 = tpu.memref_slice %arg11[%dma_start3A_83, %dma_start3A_84] : memref<10112x128xf32, #tpu.memory_space<vmem_shared>> -> memref<10112x128xf32, #tpu.memory_space<vmem_shared>>
      tpu.enqueue_indirect_dma source(%arg10 : memref<128x128xf32, #tpu.memory_space<vmem>>) target(%dma_start3A_85 : memref<10112x128xf32, #tpu.memory_space<vmem_shared>>) offsets(%dma_start3A_82 : memref<128xi32, #tpu.memory_space<vmem>>) semaphore(%arg15 : memref<!tpu.dma_semaphore, #tpu.memory_space<semaphore_mem>>) {add = true}
      %dma_wait3A_86 = arith.constant 0 : i32
      %dma_wait3A_87 = tpu.memref_slice %arg8[%mul3A_47, %dma_wait3A_86] : memref<40x128xi32, #tpu.memory_space<vmem>> -> memref<1x128xi32, #tpu.memory_space<vmem>>
      %dma_wait3A_88 = tpu.memref_squeeze %dma_wait3A_87 : memref<1x128xi32, #tpu.memory_space<vmem>> -> memref<128xi32, #tpu.memory_space<vmem>>
      %dma_wait3A_89 = arith.constant 0 : i32
      %dma_wait3A_90 = arith.constant 0 : i32
      %dma_wait3A_91 = tpu.memref_slice %arg11[%dma_wait3A_89, %dma_wait3A_90] : memref<10112x128xf32, #tpu.memory_space<vmem_shared>> -> memref<10112x128xf32, #tpu.memory_space<vmem_shared>>
      tpu.wait_indirect_dma semaphore(%arg14 : memref<!tpu.dma_semaphore, #tpu.memory_space<semaphore_mem>>) src(%arg9 : memref<128x128xf32, #tpu.memory_space<vmem>>) dst(%dma_wait3A_91 : memref<10112x128xf32, #tpu.memory_space<vmem_shared>>)
      %dma_wait3A_92 = arith.constant 0 : i32
      %dma_wait3A_93 = tpu.memref_slice %arg8[%add3A_79, %dma_wait3A_92] : memref<40x128xi32, #tpu.memory_space<vmem>> -> memref<1x128xi32, #tpu.memory_space<vmem>>
      %dma_wait3A_94 = tpu.memref_squeeze %dma_wait3A_93 : memref<1x128xi32, #tpu.memory_space<vmem>> -> memref<128xi32, #tpu.memory_space<vmem>>
      %dma_wait3A_95 = arith.constant 0 : i32
      %dma_wait3A_96 = arith.constant 0 : i32
      %dma_wait3A_97 = tpu.memref_slice %arg11[%dma_wait3A_95, %dma_wait3A_96] : memref<10112x128xf32, #tpu.memory_space<vmem_shared>> -> memref<10112x128xf32, #tpu.memory_space<vmem_shared>>
      tpu.wait_indirect_dma semaphore(%arg15 : memref<!tpu.dma_semaphore, #tpu.memory_space<semaphore_mem>>) src(%arg10 : memref<128x128xf32, #tpu.memory_space<vmem>>) dst(%dma_wait3A_97 : memref<10112x128xf32, #tpu.memory_space<vmem_shared>>)
    }
    %scan3A_17 = arith.constant 20 : i32
    "tpu.region"() ({
      %run_scoped3A = tpu.sem_alloc : memref<!tpu.dma_semaphore, #tpu.memory_space<semaphore_mem>>
      %dma_start3A = arith.constant 0 : i32
      %dma_start3A_45 = arith.constant 0 : i32
      %dma_start3A_46 = tpu.memref_slice %arg3[%add3A, %dma_start3A, %dma_start3A_45] : memref<32x80x128xi32, #tpu.memory_space<hbm>> -> memref<1x80x128xi32, #tpu.memory_space<hbm>>
      %dma_start3A_47 = tpu.memref_squeeze %dma_start3A_46 : memref<1x80x128xi32, #tpu.memory_space<hbm>> -> memref<80x128xi32, #tpu.memory_space<hbm>>
      %dma_start3A_48 = arith.constant 40 : i32
      %dma_start3A_49 = arith.constant 0 : i32
      %dma_start3A_50 = tpu.memref_slice %dma_start3A_47[%dma_start3A_48, %dma_start3A_49] : memref<80x128xi32, #tpu.memory_space<hbm>> -> memref<40x128xi32, #tpu.memory_space<hbm>>
      %dma_start3A_51 = arith.constant 0 : i32
      %dma_start3A_52 = arith.constant 0 : i32
      %dma_start3A_53 = tpu.memref_slice %arg3[%add3A, %dma_start3A_51, %dma_start3A_52] : memref<32x80x128xi32, #tpu.memory_space<hbm>> -> memref<1x80x128xi32, #tpu.memory_space<hbm>>
      %dma_start3A_54 = tpu.memref_squeeze %dma_start3A_53 : memref<1x80x128xi32, #tpu.memory_space<hbm>> -> memref<80x128xi32, #tpu.memory_space<hbm>>
      %dma_start3A_55 = arith.constant 40 : i32
      %dma_start3A_56 = arith.constant 0 : i32
      %dma_start3A_57 = tpu.memref_slice %dma_start3A_54[%dma_start3A_55, %dma_start3A_56] : memref<80x128xi32, #tpu.memory_space<hbm>> -> memref<40x128xi32, #tpu.memory_space<hbm>>
      tpu.enqueue_dma source(%dma_start3A_57 : memref<40x128xi32, #tpu.memory_space<hbm>>) target(%arg7 : memref<40x128xi32, #tpu.memory_space<vmem>>) target_semaphore(%run_scoped3A : memref<!tpu.dma_semaphore, #tpu.memory_space<semaphore_mem>>)
      %dma_wait3A = arith.constant 0 : i32
      %dma_wait3A_58 = arith.constant 0 : i32
      %dma_wait3A_59 = tpu.memref_slice %arg3[%add3A, %dma_wait3A, %dma_wait3A_58] : memref<32x80x128xi32, #tpu.memory_space<hbm>> -> memref<1x80x128xi32, #tpu.memory_space<hbm>>
      %dma_wait3A_60 = tpu.memref_squeeze %dma_wait3A_59 : memref<1x80x128xi32, #tpu.memory_space<hbm>> -> memref<80x128xi32, #tpu.memory_space<hbm>>
      %dma_wait3A_61 = arith.constant 40 : i32
      %dma_wait3A_62 = arith.constant 0 : i32
      %dma_wait3A_63 = tpu.memref_slice %dma_wait3A_60[%dma_wait3A_61, %dma_wait3A_62] : memref<80x128xi32, #tpu.memory_space<hbm>> -> memref<40x128xi32, #tpu.memory_space<hbm>>
      %dma_wait3A_64 = arith.constant 0 : i32
      %dma_wait3A_65 = arith.constant 0 : i32
      %dma_wait3A_66 = tpu.memref_slice %arg3[%add3A, %dma_wait3A_64, %dma_wait3A_65] : memref<32x80x128xi32, #tpu.memory_space<hbm>> -> memref<1x80x128xi32, #tpu.memory_space<hbm>>
      %dma_wait3A_67 = tpu.memref_squeeze %dma_wait3A_66 : memref<1x80x128xi32, #tpu.memory_space<hbm>> -> memref<80x128xi32, #tpu.memory_space<hbm>>
      %dma_wait3A_68 = arith.constant 40 : i32
      %dma_wait3A_69 = arith.constant 0 : i32
      %dma_wait3A_70 = tpu.memref_slice %dma_wait3A_67[%dma_wait3A_68, %dma_wait3A_69] : memref<80x128xi32, #tpu.memory_space<hbm>> -> memref<40x128xi32, #tpu.memory_space<hbm>>
      tpu.wait_dma2 semaphore(%run_scoped3A : memref<!tpu.dma_semaphore, #tpu.memory_space<semaphore_mem>>) src(%dma_wait3A_70 : memref<40x128xi32, #tpu.memory_space<hbm>>) dst(%arg7 : memref<40x128xi32, #tpu.memory_space<vmem>>)
      tpu.yield
    }) : () -> ()
    "tpu.region"() ({
      %run_scoped3A = tpu.sem_alloc : memref<!tpu.dma_semaphore, #tpu.memory_space<semaphore_mem>>
      %dma_start3A = arith.constant 0 : i32
      %dma_start3A_45 = arith.constant 0 : i32
      %dma_start3A_46 = tpu.memref_slice %arg4[%add3A, %dma_start3A, %dma_start3A_45] : memref<32x80x128xi32, #tpu.memory_space<hbm>> -> memref<1x80x128xi32, #tpu.memory_space<hbm>>
      %dma_start3A_47 = tpu.memref_squeeze %dma_start3A_46 : memref<1x80x128xi32, #tpu.memory_space<hbm>> -> memref<80x128xi32, #tpu.memory_space<hbm>>
      %dma_start3A_48 = arith.constant 40 : i32
      %dma_start3A_49 = arith.constant 0 : i32
      %dma_start3A_50 = tpu.memref_slice %dma_start3A_47[%dma_start3A_48, %dma_start3A_49] : memref<80x128xi32, #tpu.memory_space<hbm>> -> memref<40x128xi32, #tpu.memory_space<hbm>>
      %dma_start3A_51 = arith.constant 0 : i32
      %dma_start3A_52 = arith.constant 0 : i32
      %dma_start3A_53 = tpu.memref_slice %arg4[%add3A, %dma_start3A_51, %dma_start3A_52] : memref<32x80x128xi32, #tpu.memory_space<hbm>> -> memref<1x80x128xi32, #tpu.memory_space<hbm>>
      %dma_start3A_54 = tpu.memref_squeeze %dma_start3A_53 : memref<1x80x128xi32, #tpu.memory_space<hbm>> -> memref<80x128xi32, #tpu.memory_space<hbm>>
      %dma_start3A_55 = arith.constant 40 : i32
      %dma_start3A_56 = arith.constant 0 : i32
      %dma_start3A_57 = tpu.memref_slice %dma_start3A_54[%dma_start3A_55, %dma_start3A_56] : memref<80x128xi32, #tpu.memory_space<hbm>> -> memref<40x128xi32, #tpu.memory_space<hbm>>
      tpu.enqueue_dma source(%dma_start3A_57 : memref<40x128xi32, #tpu.memory_space<hbm>>) target(%arg8 : memref<40x128xi32, #tpu.memory_space<vmem>>) target_semaphore(%run_scoped3A : memref<!tpu.dma_semaphore, #tpu.memory_space<semaphore_mem>>)
      %dma_wait3A = arith.constant 0 : i32
      %dma_wait3A_58 = arith.constant 0 : i32
      %dma_wait3A_59 = tpu.memref_slice %arg4[%add3A, %dma_wait3A, %dma_wait3A_58] : memref<32x80x128xi32, #tpu.memory_space<hbm>> -> memref<1x80x128xi32, #tpu.memory_space<hbm>>
      %dma_wait3A_60 = tpu.memref_squeeze %dma_wait3A_59 : memref<1x80x128xi32, #tpu.memory_space<hbm>> -> memref<80x128xi32, #tpu.memory_space<hbm>>
      %dma_wait3A_61 = arith.constant 40 : i32
      %dma_wait3A_62 = arith.constant 0 : i32
      %dma_wait3A_63 = tpu.memref_slice %dma_wait3A_60[%dma_wait3A_61, %dma_wait3A_62] : memref<80x128xi32, #tpu.memory_space<hbm>> -> memref<40x128xi32, #tpu.memory_space<hbm>>
      %dma_wait3A_64 = arith.constant 0 : i32
      %dma_wait3A_65 = arith.constant 0 : i32
      %dma_wait3A_66 = tpu.memref_slice %arg4[%add3A, %dma_wait3A_64, %dma_wait3A_65] : memref<32x80x128xi32, #tpu.memory_space<hbm>> -> memref<1x80x128xi32, #tpu.memory_space<hbm>>
      %dma_wait3A_67 = tpu.memref_squeeze %dma_wait3A_66 : memref<1x80x128xi32, #tpu.memory_space<hbm>> -> memref<80x128xi32, #tpu.memory_space<hbm>>
      %dma_wait3A_68 = arith.constant 40 : i32
      %dma_wait3A_69 = arith.constant 0 : i32
      %dma_wait3A_70 = tpu.memref_slice %dma_wait3A_67[%dma_wait3A_68, %dma_wait3A_69] : memref<80x128xi32, #tpu.memory_space<hbm>> -> memref<40x128xi32, #tpu.memory_space<hbm>>
      tpu.wait_dma2 semaphore(%run_scoped3A : memref<!tpu.dma_semaphore, #tpu.memory_space<semaphore_mem>>) src(%dma_wait3A_70 : memref<40x128xi32, #tpu.memory_space<hbm>>) dst(%arg8 : memref<40x128xi32, #tpu.memory_space<vmem>>)
      tpu.yield
    }) : () -> ()
    %scan3A_18 = arith.constant 0 : i32
    %scan3A_19 = arith.constant 0 : i32
    %scan3A_20 = arith.constant 20 : i32
    %scan3A_21 = arith.addi %scan3A_19, %scan3A_20 : i32
    %scan3A_22 = arith.constant 1 : i32
    scf.for %scan3A_45 = %scan3A_19 to %scan3A_21 step %scan3A_22  : i32 {
      %mul3A_46 = arith.constant 2 : i32
      %mul3A_47 = arith.muli %mul3A_46, %scan3A_45 : i32
      %dma_start3A = arith.constant 0 : i32
      %dma_start3A_48 = tpu.memref_slice %arg7[%mul3A_47, %dma_start3A] : memref<40x128xi32, #tpu.memory_space<vmem>> -> memref<1x128xi32, #tpu.memory_space<vmem>>
      %dma_start3A_49 = tpu.memref_squeeze %dma_start3A_48 : memref<1x128xi32, #tpu.memory_space<vmem>> -> memref<128xi32, #tpu.memory_space<vmem>>
      %dma_start3A_50 = arith.constant 0 : i32
      %dma_start3A_51 = arith.constant 0 : i32
      %dma_start3A_52 = tpu.memref_slice %arg2[%dma_start3A_50, %dma_start3A_51] : memref<10000x128xf32, #tpu.memory_space<hbm>> -> memref<10000x128xf32, #tpu.memory_space<hbm>>
      tpu.enqueue_indirect_dma source(%dma_start3A_52 : memref<10000x128xf32, #tpu.memory_space<hbm>>) target(%arg9 : memref<128x128xf32, #tpu.memory_space<vmem>>) offsets(%dma_start3A_49 : memref<128xi32, #tpu.memory_space<vmem>>) semaphore(%arg12 : memref<!tpu.dma_semaphore, #tpu.memory_space<semaphore_mem>>)
      %add3A_53 = arith.constant 1 : i32
      %add3A_54 = arith.addi %mul3A_47, %add3A_53 : i32
      %dma_start3A_55 = arith.constant 0 : i32
      %dma_start3A_56 = tpu.memref_slice %arg7[%add3A_54, %dma_start3A_55] : memref<40x128xi32, #tpu.memory_space<vmem>> -> memref<1x128xi32, #tpu.memory_space<vmem>>
      %dma_start3A_57 = tpu.memref_squeeze %dma_start3A_56 : memref<1x128xi32, #tpu.memory_space<vmem>> -> memref<128xi32, #tpu.memory_space<vmem>>
      %dma_start3A_58 = arith.constant 0 : i32
      %dma_start3A_59 = arith.constant 0 : i32
      %dma_start3A_60 = tpu.memref_slice %arg2[%dma_start3A_58, %dma_start3A_59] : memref<10000x128xf32, #tpu.memory_space<hbm>> -> memref<10000x128xf32, #tpu.memory_space<hbm>>
      tpu.enqueue_indirect_dma source(%dma_start3A_60 : memref<10000x128xf32, #tpu.memory_space<hbm>>) target(%arg10 : memref<128x128xf32, #tpu.memory_space<vmem>>) offsets(%dma_start3A_57 : memref<128xi32, #tpu.memory_space<vmem>>) semaphore(%arg13 : memref<!tpu.dma_semaphore, #tpu.memory_space<semaphore_mem>>)
      %dma_wait3A = arith.constant 0 : i32
      %dma_wait3A_61 = tpu.memref_slice %arg7[%mul3A_47, %dma_wait3A] : memref<40x128xi32, #tpu.memory_space<vmem>> -> memref<1x128xi32, #tpu.memory_space<vmem>>
      %dma_wait3A_62 = tpu.memref_squeeze %dma_wait3A_61 : memref<1x128xi32, #tpu.memory_space<vmem>> -> memref<128xi32, #tpu.memory_space<vmem>>
      %dma_wait3A_63 = arith.constant 0 : i32
      %dma_wait3A_64 = arith.constant 0 : i32
      %dma_wait3A_65 = tpu.memref_slice %arg2[%dma_wait3A_63, %dma_wait3A_64] : memref<10000x128xf32, #tpu.memory_space<hbm>> -> memref<10000x128xf32, #tpu.memory_space<hbm>>
      tpu.wait_indirect_dma semaphore(%arg12 : memref<!tpu.dma_semaphore, #tpu.memory_space<semaphore_mem>>) src(%dma_wait3A_65 : memref<10000x128xf32, #tpu.memory_space<hbm>>) dst(%arg9 : memref<128x128xf32, #tpu.memory_space<vmem>>)
      %dma_start3A_66 = arith.constant 0 : i32
      %dma_start3A_67 = tpu.memref_slice %arg8[%mul3A_47, %dma_start3A_66] : memref<40x128xi32, #tpu.memory_space<vmem>> -> memref<1x128xi32, #tpu.memory_space<vmem>>
      %dma_start3A_68 = tpu.memref_squeeze %dma_start3A_67 : memref<1x128xi32, #tpu.memory_space<vmem>> -> memref<128xi32, #tpu.memory_space<vmem>>
      %dma_start3A_69 = arith.constant 0 : i32
      %dma_start3A_70 = arith.constant 0 : i32
      %dma_start3A_71 = tpu.memref_slice %arg11[%dma_start3A_69, %dma_start3A_70] : memref<10112x128xf32, #tpu.memory_space<vmem_shared>> -> memref<10112x128xf32, #tpu.memory_space<vmem_shared>>
      tpu.enqueue_indirect_dma source(%arg9 : memref<128x128xf32, #tpu.memory_space<vmem>>) target(%dma_start3A_71 : memref<10112x128xf32, #tpu.memory_space<vmem_shared>>) offsets(%dma_start3A_68 : memref<128xi32, #tpu.memory_space<vmem>>) semaphore(%arg14 : memref<!tpu.dma_semaphore, #tpu.memory_space<semaphore_mem>>) {add = true}
      %dma_wait3A_72 = arith.constant 0 : i32
      %dma_wait3A_73 = tpu.memref_slice %arg7[%add3A_54, %dma_wait3A_72] : memref<40x128xi32, #tpu.memory_space<vmem>> -> memref<1x128xi32, #tpu.memory_space<vmem>>
      %dma_wait3A_74 = tpu.memref_squeeze %dma_wait3A_73 : memref<1x128xi32, #tpu.memory_space<vmem>> -> memref<128xi32, #tpu.memory_space<vmem>>
      %dma_wait3A_75 = arith.constant 0 : i32
      %dma_wait3A_76 = arith.constant 0 : i32
      %dma_wait3A_77 = tpu.memref_slice %arg2[%dma_wait3A_75, %dma_wait3A_76] : memref<10000x128xf32, #tpu.memory_space<hbm>> -> memref<10000x128xf32, #tpu.memory_space<hbm>>
      tpu.wait_indirect_dma semaphore(%arg13 : memref<!tpu.dma_semaphore, #tpu.memory_space<semaphore_mem>>) src(%dma_wait3A_77 : memref<10000x128xf32, #tpu.memory_space<hbm>>) dst(%arg10 : memref<128x128xf32, #tpu.memory_space<vmem>>)
      %add3A_78 = arith.constant 1 : i32
      %add3A_79 = arith.addi %mul3A_47, %add3A_78 : i32
      %dma_start3A_80 = arith.constant 0 : i32
      %dma_start3A_81 = tpu.memref_slice %arg8[%add3A_79, %dma_start3A_80] : memref<40x128xi32, #tpu.memory_space<vmem>> -> memref<1x128xi32, #tpu.memory_space<vmem>>
      %dma_start3A_82 = tpu.memref_squeeze %dma_start3A_81 : memref<1x128xi32, #tpu.memory_space<vmem>> -> memref<128xi32, #tpu.memory_space<vmem>>
      %dma_start3A_83 = arith.constant 0 : i32
      %dma_start3A_84 = arith.constant 0 : i32
      %dma_start3A_85 = tpu.memref_slice %arg11[%dma_start3A_83, %dma_start3A_84] : memref<10112x128xf32, #tpu.memory_space<vmem_shared>> -> memref<10112x128xf32, #tpu.memory_space<vmem_shared>>
      tpu.enqueue_indirect_dma source(%arg10 : memref<128x128xf32, #tpu.memory_space<vmem>>) target(%dma_start3A_85 : memref<10112x128xf32, #tpu.memory_space<vmem_shared>>) offsets(%dma_start3A_82 : memref<128xi32, #tpu.memory_space<vmem>>) semaphore(%arg15 : memref<!tpu.dma_semaphore, #tpu.memory_space<semaphore_mem>>) {add = true}
      %dma_wait3A_86 = arith.constant 0 : i32
      %dma_wait3A_87 = tpu.memref_slice %arg8[%mul3A_47, %dma_wait3A_86] : memref<40x128xi32, #tpu.memory_space<vmem>> -> memref<1x128xi32, #tpu.memory_space<vmem>>
      %dma_wait3A_88 = tpu.memref_squeeze %dma_wait3A_87 : memref<1x128xi32, #tpu.memory_space<vmem>> -> memref<128xi32, #tpu.memory_space<vmem>>
      %dma_wait3A_89 = arith.constant 0 : i32
      %dma_wait3A_90 = arith.constant 0 : i32
      %dma_wait3A_91 = tpu.memref_slice %arg11[%dma_wait3A_89, %dma_wait3A_90] : memref<10112x128xf32, #tpu.memory_space<vmem_shared>> -> memref<10112x128xf32, #tpu.memory_space<vmem_shared>>
      tpu.wait_indirect_dma semaphore(%arg14 : memref<!tpu.dma_semaphore, #tpu.memory_space<semaphore_mem>>) src(%arg9 : memref<128x128xf32, #tpu.memory_space<vmem>>) dst(%dma_wait3A_91 : memref<10112x128xf32, #tpu.memory_space<vmem_shared>>)
      %dma_wait3A_92 = arith.constant 0 : i32
      %dma_wait3A_93 = tpu.memref_slice %arg8[%add3A_79, %dma_wait3A_92] : memref<40x128xi32, #tpu.memory_space<vmem>> -> memref<1x128xi32, #tpu.memory_space<vmem>>
      %dma_wait3A_94 = tpu.memref_squeeze %dma_wait3A_93 : memref<1x128xi32, #tpu.memory_space<vmem>> -> memref<128xi32, #tpu.memory_space<vmem>>
      %dma_wait3A_95 = arith.constant 0 : i32
      %dma_wait3A_96 = arith.constant 0 : i32
      %dma_wait3A_97 = tpu.memref_slice %arg11[%dma_wait3A_95, %dma_wait3A_96] : memref<10112x128xf32, #tpu.memory_space<vmem_shared>> -> memref<10112x128xf32, #tpu.memory_space<vmem_shared>>
      tpu.wait_indirect_dma semaphore(%arg15 : memref<!tpu.dma_semaphore, #tpu.memory_space<semaphore_mem>>) src(%arg10 : memref<128x128xf32, #tpu.memory_space<vmem>>) dst(%dma_wait3A_97 : memref<10112x128xf32, #tpu.memory_space<vmem_shared>>)
    }
    %scan3A_23 = arith.constant 20 : i32
    %barrier3A_24 = arith.constant 0 : index
    tpu.barrier barrier_id(%barrier3A_24)
    %add3A_25 = arith.constant 0 : i32
    %add3A_26 = arith.addi %mul3A_2, %add3A_25 : i32
    "tpu.region"() ({
      %run_scoped3A = tpu.sem_alloc : memref<!tpu.dma_semaphore, #tpu.memory_space<semaphore_mem>>
      %dma_start3A = arith.constant 0 : i32
      %dma_start3A_45 = tpu.memref_slice %arg11[%add3A_26, %dma_start3A] : memref<10112x128xf32, #tpu.memory_space<vmem_shared>> -> memref<128x128xf32, #tpu.memory_space<vmem_shared>>
      %dma_start3A_46 = arith.constant 0 : i32
      %dma_start3A_47 = tpu.memref_slice %arg11[%add3A_26, %dma_start3A_46] : memref<10112x128xf32, #tpu.memory_space<vmem_shared>> -> memref<128x128xf32, #tpu.memory_space<vmem_shared>>
      tpu.enqueue_dma source(%dma_start3A_47 : memref<128x128xf32, #tpu.memory_space<vmem_shared>>) target(%arg9 : memref<128x128xf32, #tpu.memory_space<vmem>>) target_semaphore(%run_scoped3A : memref<!tpu.dma_semaphore, #tpu.memory_space<semaphore_mem>>)
      %dma_wait3A = arith.constant 0 : i32
      %dma_wait3A_48 = tpu.memref_slice %arg11[%add3A_26, %dma_wait3A] : memref<10112x128xf32, #tpu.memory_space<vmem_shared>> -> memref<128x128xf32, #tpu.memory_space<vmem_shared>>
      %dma_wait3A_49 = arith.constant 0 : i32
      %dma_wait3A_50 = tpu.memref_slice %arg11[%add3A_26, %dma_wait3A_49] : memref<10112x128xf32, #tpu.memory_space<vmem_shared>> -> memref<128x128xf32, #tpu.memory_space<vmem_shared>>
      tpu.wait_dma2 semaphore(%run_scoped3A : memref<!tpu.dma_semaphore, #tpu.memory_space<semaphore_mem>>) src(%dma_wait3A_50 : memref<128x128xf32, #tpu.memory_space<vmem_shared>>) dst(%arg9 : memref<128x128xf32, #tpu.memory_space<vmem>>)
      tpu.yield
    }) : () -> ()
    %add3A_27 = arith.constant 0 : i32
    %add3A_28 = arith.addi %mul3A_2, %add3A_27 : i32
    "tpu.region"() ({
      %run_scoped3A = tpu.sem_alloc : memref<!tpu.dma_semaphore, #tpu.memory_space<semaphore_mem>>
      %dma_start3A = arith.constant 0 : i32
      %dma_start3A_45 = arith.constant 0 : i32
      %dma_start3A_46 = tpu.memref_slice %arg6[%arg0, %dma_start3A, %dma_start3A_45] : memref<2x10112x128xf32, #tpu.memory_space<hbm>> -> memref<1x10112x128xf32, #tpu.memory_space<hbm>>
      %dma_start3A_47 = tpu.memref_squeeze %dma_start3A_46 : memref<1x10112x128xf32, #tpu.memory_space<hbm>> -> memref<10112x128xf32, #tpu.memory_space<hbm>>
      %dma_start3A_48 = arith.constant 0 : i32
      %dma_start3A_49 = tpu.memref_slice %dma_start3A_47[%add3A_28, %dma_start3A_48] : memref<10112x128xf32, #tpu.memory_space<hbm>> -> memref<128x128xf32, #tpu.memory_space<hbm>>
      %dma_start3A_50 = arith.constant 0 : i32
      %dma_start3A_51 = arith.constant 0 : i32
      %dma_start3A_52 = tpu.memref_slice %arg6[%arg0, %dma_start3A_50, %dma_start3A_51] : memref<2x10112x128xf32, #tpu.memory_space<hbm>> -> memref<1x10112x128xf32, #tpu.memory_space<hbm>>
      %dma_start3A_53 = tpu.memref_squeeze %dma_start3A_52 : memref<1x10112x128xf32, #tpu.memory_space<hbm>> -> memref<10112x128xf32, #tpu.memory_space<hbm>>
      %dma_start3A_54 = arith.constant 0 : i32
      %dma_start3A_55 = tpu.memref_slice %dma_start3A_53[%add3A_28, %dma_start3A_54] : memref<10112x128xf32, #tpu.memory_space<hbm>> -> memref<128x128xf32, #tpu.memory_space<hbm>>
      tpu.enqueue_dma source(%arg9 : memref<128x128xf32, #tpu.memory_space<vmem>>) target(%dma_start3A_55 : memref<128x128xf32, #tpu.memory_space<hbm>>) target_semaphore(%run_scoped3A : memref<!tpu.dma_semaphore, #tpu.memory_space<semaphore_mem>>)
      %dma_wait3A = arith.constant 0 : i32
      %dma_wait3A_56 = arith.constant 0 : i32
      %dma_wait3A_57 = tpu.memref_slice %arg6[%arg0, %dma_wait3A, %dma_wait3A_56] : memref<2x10112x128xf32, #tpu.memory_space<hbm>> -> memref<1x10112x128xf32, #tpu.memory_space<hbm>>
      %dma_wait3A_58 = tpu.memref_squeeze %dma_wait3A_57 : memref<1x10112x128xf32, #tpu.memory_space<hbm>> -> memref<10112x128xf32, #tpu.memory_space<hbm>>
      %dma_wait3A_59 = arith.constant 0 : i32
      %dma_wait3A_60 = tpu.memref_slice %dma_wait3A_58[%add3A_28, %dma_wait3A_59] : memref<10112x128xf32, #tpu.memory_space<hbm>> -> memref<128x128xf32, #tpu.memory_space<hbm>>
      %dma_wait3A_61 = arith.constant 0 : i32
      %dma_wait3A_62 = arith.constant 0 : i32
      %dma_wait3A_63 = tpu.memref_slice %arg6[%arg0, %dma_wait3A_61, %dma_wait3A_62] : memref<2x10112x128xf32, #tpu.memory_space<hbm>> -> memref<1x10112x128xf32, #tpu.memory_space<hbm>>
      %dma_wait3A_64 = tpu.memref_squeeze %dma_wait3A_63 : memref<1x10112x128xf32, #tpu.memory_space<hbm>> -> memref<10112x128xf32, #tpu.memory_space<hbm>>
      %dma_wait3A_65 = arith.constant 0 : i32
      %dma_wait3A_66 = tpu.memref_slice %dma_wait3A_64[%add3A_28, %dma_wait3A_65] : memref<10112x128xf32, #tpu.memory_space<hbm>> -> memref<128x128xf32, #tpu.memory_space<hbm>>
      tpu.wait_dma2 semaphore(%run_scoped3A : memref<!tpu.dma_semaphore, #tpu.memory_space<semaphore_mem>>) src(%arg9 : memref<128x128xf32, #tpu.memory_space<vmem>>) dst(%dma_wait3A_66 : memref<128x128xf32, #tpu.memory_space<hbm>>)
      tpu.yield
    }) : () -> ()
    %add3A_29 = arith.constant 128 : i32
    %add3A_30 = arith.addi %mul3A_2, %add3A_29 : i32
    "tpu.region"() ({
      %run_scoped3A = tpu.sem_alloc : memref<!tpu.dma_semaphore, #tpu.memory_space<semaphore_mem>>
      %dma_start3A = arith.constant 0 : i32
      %dma_start3A_45 = tpu.memref_slice %arg11[%add3A_30, %dma_start3A] : memref<10112x128xf32, #tpu.memory_space<vmem_shared>> -> memref<128x128xf32, #tpu.memory_space<vmem_shared>>
      %dma_start3A_46 = arith.constant 0 : i32
      %dma_start3A_47 = tpu.memref_slice %arg11[%add3A_30, %dma_start3A_46] : memref<10112x128xf32, #tpu.memory_space<vmem_shared>> -> memref<128x128xf32, #tpu.memory_space<vmem_shared>>
      tpu.enqueue_dma source(%dma_start3A_47 : memref<128x128xf32, #tpu.memory_space<vmem_shared>>) target(%arg9 : memref<128x128xf32, #tpu.memory_space<vmem>>) target_semaphore(%run_scoped3A : memref<!tpu.dma_semaphore, #tpu.memory_space<semaphore_mem>>)
      %dma_wait3A = arith.constant 0 : i32
      %dma_wait3A_48 = tpu.memref_slice %arg11[%add3A_30, %dma_wait3A] : memref<10112x128xf32, #tpu.memory_space<vmem_shared>> -> memref<128x128xf32, #tpu.memory_space<vmem_shared>>
      %dma_wait3A_49 = arith.constant 0 : i32
      %dma_wait3A_50 = tpu.memref_slice %arg11[%add3A_30, %dma_wait3A_49] : memref<10112x128xf32, #tpu.memory_space<vmem_shared>> -> memref<128x128xf32, #tpu.memory_space<vmem_shared>>
      tpu.wait_dma2 semaphore(%run_scoped3A : memref<!tpu.dma_semaphore, #tpu.memory_space<semaphore_mem>>) src(%dma_wait3A_50 : memref<128x128xf32, #tpu.memory_space<vmem_shared>>) dst(%arg9 : memref<128x128xf32, #tpu.memory_space<vmem>>)
      tpu.yield
    }) : () -> ()
    %add3A_31 = arith.constant 128 : i32
    %add3A_32 = arith.addi %mul3A_2, %add3A_31 : i32
    "tpu.region"() ({
      %run_scoped3A = tpu.sem_alloc : memref<!tpu.dma_semaphore, #tpu.memory_space<semaphore_mem>>
      %dma_start3A = arith.constant 0 : i32
      %dma_start3A_45 = arith.constant 0 : i32
      %dma_start3A_46 = tpu.memref_slice %arg6[%arg0, %dma_start3A, %dma_start3A_45] : memref<2x10112x128xf32, #tpu.memory_space<hbm>> -> memref<1x10112x128xf32, #tpu.memory_space<hbm>>
      %dma_start3A_47 = tpu.memref_squeeze %dma_start3A_46 : memref<1x10112x128xf32, #tpu.memory_space<hbm>> -> memref<10112x128xf32, #tpu.memory_space<hbm>>
      %dma_start3A_48 = arith.constant 0 : i32
      %dma_start3A_49 = tpu.memref_slice %dma_start3A_47[%add3A_32, %dma_start3A_48] : memref<10112x128xf32, #tpu.memory_space<hbm>> -> memref<128x128xf32, #tpu.memory_space<hbm>>
      %dma_start3A_50 = arith.constant 0 : i32
      %dma_start3A_51 = arith.constant 0 : i32
      %dma_start3A_52 = tpu.memref_slice %arg6[%arg0, %dma_start3A_50, %dma_start3A_51] : memref<2x10112x128xf32, #tpu.memory_space<hbm>> -> memref<1x10112x128xf32, #tpu.memory_space<hbm>>
      %dma_start3A_53 = tpu.memref_squeeze %dma_start3A_52 : memref<1x10112x128xf32, #tpu.memory_space<hbm>> -> memref<10112x128xf32, #tpu.memory_space<hbm>>
      %dma_start3A_54 = arith.constant 0 : i32
      %dma_start3A_55 = tpu.memref_slice %dma_start3A_53[%add3A_32, %dma_start3A_54] : memref<10112x128xf32, #tpu.memory_space<hbm>> -> memref<128x128xf32, #tpu.memory_space<hbm>>
      tpu.enqueue_dma source(%arg9 : memref<128x128xf32, #tpu.memory_space<vmem>>) target(%dma_start3A_55 : memref<128x128xf32, #tpu.memory_space<hbm>>) target_semaphore(%run_scoped3A : memref<!tpu.dma_semaphore, #tpu.memory_space<semaphore_mem>>)
      %dma_wait3A = arith.constant 0 : i32
      %dma_wait3A_56 = arith.constant 0 : i32
      %dma_wait3A_57 = tpu.memref_slice %arg6[%arg0, %dma_wait3A, %dma_wait3A_56] : memref<2x10112x128xf32, #tpu.memory_space<hbm>> -> memref<1x10112x128xf32, #tpu.memory_space<hbm>>
      %dma_wait3A_58 = tpu.memref_squeeze %dma_wait3A_57 : memref<1x10112x128xf32, #tpu.memory_space<hbm>> -> memref<10112x128xf32, #tpu.memory_space<hbm>>
      %dma_wait3A_59 = arith.constant 0 : i32
      %dma_wait3A_60 = tpu.memref_slice %dma_wait3A_58[%add3A_32, %dma_wait3A_59] : memref<10112x128xf32, #tpu.memory_space<hbm>> -> memref<128x128xf32, #tpu.memory_space<hbm>>
      %dma_wait3A_61 = arith.constant 0 : i32
      %dma_wait3A_62 = arith.constant 0 : i32
      %dma_wait3A_63 = tpu.memref_slice %arg6[%arg0, %dma_wait3A_61, %dma_wait3A_62] : memref<2x10112x128xf32, #tpu.memory_space<hbm>> -> memref<1x10112x128xf32, #tpu.memory_space<hbm>>
      %dma_wait3A_64 = tpu.memref_squeeze %dma_wait3A_63 : memref<1x10112x128xf32, #tpu.memory_space<hbm>> -> memref<10112x128xf32, #tpu.memory_space<hbm>>
      %dma_wait3A_65 = arith.constant 0 : i32
      %dma_wait3A_66 = tpu.memref_slice %dma_wait3A_64[%add3A_32, %dma_wait3A_65] : memref<10112x128xf32, #tpu.memory_space<hbm>> -> memref<128x128xf32, #tpu.memory_space<hbm>>
      tpu.wait_dma2 semaphore(%run_scoped3A : memref<!tpu.dma_semaphore, #tpu.memory_space<semaphore_mem>>) src(%arg9 : memref<128x128xf32, #tpu.memory_space<vmem>>) dst(%dma_wait3A_66 : memref<128x128xf32, #tpu.memory_space<hbm>>)
      tpu.yield
    }) : () -> ()
    %add3A_33 = arith.constant 256 : i32
    %add3A_34 = arith.addi %mul3A_2, %add3A_33 : i32
    "tpu.region"() ({
      %run_scoped3A = tpu.sem_alloc : memref<!tpu.dma_semaphore, #tpu.memory_space<semaphore_mem>>
      %dma_start3A = arith.constant 0 : i32
      %dma_start3A_45 = tpu.memref_slice %arg11[%add3A_34, %dma_start3A] : memref<10112x128xf32, #tpu.memory_space<vmem_shared>> -> memref<128x128xf32, #tpu.memory_space<vmem_shared>>
      %dma_start3A_46 = arith.constant 0 : i32
      %dma_start3A_47 = tpu.memref_slice %arg11[%add3A_34, %dma_start3A_46] : memref<10112x128xf32, #tpu.memory_space<vmem_shared>> -> memref<128x128xf32, #tpu.memory_space<vmem_shared>>
      tpu.enqueue_dma source(%dma_start3A_47 : memref<128x128xf32, #tpu.memory_space<vmem_shared>>) target(%arg9 : memref<128x128xf32, #tpu.memory_space<vmem>>) target_semaphore(%run_scoped3A : memref<!tpu.dma_semaphore, #tpu.memory_space<semaphore_mem>>)
      %dma_wait3A = arith.constant 0 : i32
      %dma_wait3A_48 = tpu.memref_slice %arg11[%add3A_34, %dma_wait3A] : memref<10112x128xf32, #tpu.memory_space<vmem_shared>> -> memref<128x128xf32, #tpu.memory_space<vmem_shared>>
      %dma_wait3A_49 = arith.constant 0 : i32
      %dma_wait3A_50 = tpu.memref_slice %arg11[%add3A_34, %dma_wait3A_49] : memref<10112x128xf32, #tpu.memory_space<vmem_shared>> -> memref<128x128xf32, #tpu.memory_space<vmem_shared>>
      tpu.wait_dma2 semaphore(%run_scoped3A : memref<!tpu.dma_semaphore, #tpu.memory_space<semaphore_mem>>) src(%dma_wait3A_50 : memref<128x128xf32, #tpu.memory_space<vmem_shared>>) dst(%arg9 : memref<128x128xf32, #tpu.memory_space<vmem>>)
      tpu.yield
    }) : () -> ()
    %add3A_35 = arith.constant 256 : i32
    %add3A_36 = arith.addi %mul3A_2, %add3A_35 : i32
    "tpu.region"() ({
      %run_scoped3A = tpu.sem_alloc : memref<!tpu.dma_semaphore, #tpu.memory_space<semaphore_mem>>
      %dma_start3A = arith.constant 0 : i32
      %dma_start3A_45 = arith.constant 0 : i32
      %dma_start3A_46 = tpu.memref_slice %arg6[%arg0, %dma_start3A, %dma_start3A_45] : memref<2x10112x128xf32, #tpu.memory_space<hbm>> -> memref<1x10112x128xf32, #tpu.memory_space<hbm>>
      %dma_start3A_47 = tpu.memref_squeeze %dma_start3A_46 : memref<1x10112x128xf32, #tpu.memory_space<hbm>> -> memref<10112x128xf32, #tpu.memory_space<hbm>>
      %dma_start3A_48 = arith.constant 0 : i32
      %dma_start3A_49 = tpu.memref_slice %dma_start3A_47[%add3A_36, %dma_start3A_48] : memref<10112x128xf32, #tpu.memory_space<hbm>> -> memref<128x128xf32, #tpu.memory_space<hbm>>
      %dma_start3A_50 = arith.constant 0 : i32
      %dma_start3A_51 = arith.constant 0 : i32
      %dma_start3A_52 = tpu.memref_slice %arg6[%arg0, %dma_start3A_50, %dma_start3A_51] : memref<2x10112x128xf32, #tpu.memory_space<hbm>> -> memref<1x10112x128xf32, #tpu.memory_space<hbm>>
      %dma_start3A_53 = tpu.memref_squeeze %dma_start3A_52 : memref<1x10112x128xf32, #tpu.memory_space<hbm>> -> memref<10112x128xf32, #tpu.memory_space<hbm>>
      %dma_start3A_54 = arith.constant 0 : i32
      %dma_start3A_55 = tpu.memref_slice %dma_start3A_53[%add3A_36, %dma_start3A_54] : memref<10112x128xf32, #tpu.memory_space<hbm>> -> memref<128x128xf32, #tpu.memory_space<hbm>>
      tpu.enqueue_dma source(%arg9 : memref<128x128xf32, #tpu.memory_space<vmem>>) target(%dma_start3A_55 : memref<128x128xf32, #tpu.memory_space<hbm>>) target_semaphore(%run_scoped3A : memref<!tpu.dma_semaphore, #tpu.memory_space<semaphore_mem>>)
      %dma_wait3A = arith.constant 0 : i32
      %dma_wait3A_56 = arith.constant 0 : i32
      %dma_wait3A_57 = tpu.memref_slice %arg6[%arg0, %dma_wait3A, %dma_wait3A_56] : memref<2x10112x128xf32, #tpu.memory_space<hbm>> -> memref<1x10112x128xf32, #tpu.memory_space<hbm>>
      %dma_wait3A_58 = tpu.memref_squeeze %dma_wait3A_57 : memref<1x10112x128xf32, #tpu.memory_space<hbm>> -> memref<10112x128xf32, #tpu.memory_space<hbm>>
      %dma_wait3A_59 = arith.constant 0 : i32
      %dma_wait3A_60 = tpu.memref_slice %dma_wait3A_58[%add3A_36, %dma_wait3A_59] : memref<10112x128xf32, #tpu.memory_space<hbm>> -> memref<128x128xf32, #tpu.memory_space<hbm>>
      %dma_wait3A_61 = arith.constant 0 : i32
      %dma_wait3A_62 = arith.constant 0 : i32
      %dma_wait3A_63 = tpu.memref_slice %arg6[%arg0, %dma_wait3A_61, %dma_wait3A_62] : memref<2x10112x128xf32, #tpu.memory_space<hbm>> -> memref<1x10112x128xf32, #tpu.memory_space<hbm>>
      %dma_wait3A_64 = tpu.memref_squeeze %dma_wait3A_63 : memref<1x10112x128xf32, #tpu.memory_space<hbm>> -> memref<10112x128xf32, #tpu.memory_space<hbm>>
      %dma_wait3A_65 = arith.constant 0 : i32
      %dma_wait3A_66 = tpu.memref_slice %dma_wait3A_64[%add3A_36, %dma_wait3A_65] : memref<10112x128xf32, #tpu.memory_space<hbm>> -> memref<128x128xf32, #tpu.memory_space<hbm>>
      tpu.wait_dma2 semaphore(%run_scoped3A : memref<!tpu.dma_semaphore, #tpu.memory_space<semaphore_mem>>) src(%arg9 : memref<128x128xf32, #tpu.memory_space<vmem>>) dst(%dma_wait3A_66 : memref<128x128xf32, #tpu.memory_space<hbm>>)
      tpu.yield
    }) : () -> ()
    %add3A_37 = arith.constant 384 : i32
    %add3A_38 = arith.addi %mul3A_2, %add3A_37 : i32
    "tpu.region"() ({
      %run_scoped3A = tpu.sem_alloc : memref<!tpu.dma_semaphore, #tpu.memory_space<semaphore_mem>>
      %dma_start3A = arith.constant 0 : i32
      %dma_start3A_45 = tpu.memref_slice %arg11[%add3A_38, %dma_start3A] : memref<10112x128xf32, #tpu.memory_space<vmem_shared>> -> memref<128x128xf32, #tpu.memory_space<vmem_shared>>
      %dma_start3A_46 = arith.constant 0 : i32
      %dma_start3A_47 = tpu.memref_slice %arg11[%add3A_38, %dma_start3A_46] : memref<10112x128xf32, #tpu.memory_space<vmem_shared>> -> memref<128x128xf32, #tpu.memory_space<vmem_shared>>
      tpu.enqueue_dma source(%dma_start3A_47 : memref<128x128xf32, #tpu.memory_space<vmem_shared>>) target(%arg9 : memref<128x128xf32, #tpu.memory_space<vmem>>) target_semaphore(%run_scoped3A : memref<!tpu.dma_semaphore, #tpu.memory_space<semaphore_mem>>)
      %dma_wait3A = arith.constant 0 : i32
      %dma_wait3A_48 = tpu.memref_slice %arg11[%add3A_38, %dma_wait3A] : memref<10112x128xf32, #tpu.memory_space<vmem_shared>> -> memref<128x128xf32, #tpu.memory_space<vmem_shared>>
      %dma_wait3A_49 = arith.constant 0 : i32
      %dma_wait3A_50 = tpu.memref_slice %arg11[%add3A_38, %dma_wait3A_49] : memref<10112x128xf32, #tpu.memory_space<vmem_shared>> -> memref<128x128xf32, #tpu.memory_space<vmem_shared>>
      tpu.wait_dma2 semaphore(%run_scoped3A : memref<!tpu.dma_semaphore, #tpu.memory_space<semaphore_mem>>) src(%dma_wait3A_50 : memref<128x128xf32, #tpu.memory_space<vmem_shared>>) dst(%arg9 : memref<128x128xf32, #tpu.memory_space<vmem>>)
      tpu.yield
    }) : () -> ()
    %add3A_39 = arith.constant 384 : i32
    %add3A_40 = arith.addi %mul3A_2, %add3A_39 : i32
    "tpu.region"() ({
      %run_scoped3A = tpu.sem_alloc : memref<!tpu.dma_semaphore, #tpu.memory_space<semaphore_mem>>
      %dma_start3A = arith.constant 0 : i32
      %dma_start3A_45 = arith.constant 0 : i32
      %dma_start3A_46 = tpu.memref_slice %arg6[%arg0, %dma_start3A, %dma_start3A_45] : memref<2x10112x128xf32, #tpu.memory_space<hbm>> -> memref<1x10112x128xf32, #tpu.memory_space<hbm>>
      %dma_start3A_47 = tpu.memref_squeeze %dma_start3A_46 : memref<1x10112x128xf32, #tpu.memory_space<hbm>> -> memref<10112x128xf32, #tpu.memory_space<hbm>>
      %dma_start3A_48 = arith.constant 0 : i32
      %dma_start3A_49 = tpu.memref_slice %dma_start3A_47[%add3A_40, %dma_start3A_48] : memref<10112x128xf32, #tpu.memory_space<hbm>> -> memref<128x128xf32, #tpu.memory_space<hbm>>
      %dma_start3A_50 = arith.constant 0 : i32
      %dma_start3A_51 = arith.constant 0 : i32
      %dma_start3A_52 = tpu.memref_slice %arg6[%arg0, %dma_start3A_50, %dma_start3A_51] : memref<2x10112x128xf32, #tpu.memory_space<hbm>> -> memref<1x10112x128xf32, #tpu.memory_space<hbm>>
      %dma_start3A_53 = tpu.memref_squeeze %dma_start3A_52 : memref<1x10112x128xf32, #tpu.memory_space<hbm>> -> memref<10112x128xf32, #tpu.memory_space<hbm>>
      %dma_start3A_54 = arith.constant 0 : i32
      %dma_start3A_55 = tpu.memref_slice %dma_start3A_53[%add3A_40, %dma_start3A_54] : memref<10112x128xf32, #tpu.memory_space<hbm>> -> memref<128x128xf32, #tpu.memory_space<hbm>>
      tpu.enqueue_dma source(%arg9 : memref<128x128xf32, #tpu.memory_space<vmem>>) target(%dma_start3A_55 : memref<128x128xf32, #tpu.memory_space<hbm>>) target_semaphore(%run_scoped3A : memref<!tpu.dma_semaphore, #tpu.memory_space<semaphore_mem>>)
      %dma_wait3A = arith.constant 0 : i32
      %dma_wait3A_56 = arith.constant 0 : i32
      %dma_wait3A_57 = tpu.memref_slice %arg6[%arg0, %dma_wait3A, %dma_wait3A_56] : memref<2x10112x128xf32, #tpu.memory_space<hbm>> -> memref<1x10112x128xf32, #tpu.memory_space<hbm>>
      %dma_wait3A_58 = tpu.memref_squeeze %dma_wait3A_57 : memref<1x10112x128xf32, #tpu.memory_space<hbm>> -> memref<10112x128xf32, #tpu.memory_space<hbm>>
      %dma_wait3A_59 = arith.constant 0 : i32
      %dma_wait3A_60 = tpu.memref_slice %dma_wait3A_58[%add3A_40, %dma_wait3A_59] : memref<10112x128xf32, #tpu.memory_space<hbm>> -> memref<128x128xf32, #tpu.memory_space<hbm>>
      %dma_wait3A_61 = arith.constant 0 : i32
      %dma_wait3A_62 = arith.constant 0 : i32
      %dma_wait3A_63 = tpu.memref_slice %arg6[%arg0, %dma_wait3A_61, %dma_wait3A_62] : memref<2x10112x128xf32, #tpu.memory_space<hbm>> -> memref<1x10112x128xf32, #tpu.memory_space<hbm>>
      %dma_wait3A_64 = tpu.memref_squeeze %dma_wait3A_63 : memref<1x10112x128xf32, #tpu.memory_space<hbm>> -> memref<10112x128xf32, #tpu.memory_space<hbm>>
      %dma_wait3A_65 = arith.constant 0 : i32
      %dma_wait3A_66 = tpu.memref_slice %dma_wait3A_64[%add3A_40, %dma_wait3A_65] : memref<10112x128xf32, #tpu.memory_space<hbm>> -> memref<128x128xf32, #tpu.memory_space<hbm>>
      tpu.wait_dma2 semaphore(%run_scoped3A : memref<!tpu.dma_semaphore, #tpu.memory_space<semaphore_mem>>) src(%arg9 : memref<128x128xf32, #tpu.memory_space<vmem>>) dst(%dma_wait3A_66 : memref<128x128xf32, #tpu.memory_space<hbm>>)
      tpu.yield
    }) : () -> ()
    %add3A_41 = arith.constant 512 : i32
    %add3A_42 = arith.addi %mul3A_2, %add3A_41 : i32
    "tpu.region"() ({
      %run_scoped3A = tpu.sem_alloc : memref<!tpu.dma_semaphore, #tpu.memory_space<semaphore_mem>>
      %dma_start3A = arith.constant 0 : i32
      %dma_start3A_45 = arith.constant 0 : i32
      %dma_start3A_46 = tpu.memref_slice %arg10[%dma_start3A, %dma_start3A_45] : memref<128x128xf32, #tpu.memory_space<vmem>> -> memref<120x128xf32, #tpu.memory_space<vmem>>
      %dma_start3A_47 = arith.constant 0 : i32
      %dma_start3A_48 = tpu.memref_slice %arg11[%add3A_42, %dma_start3A_47] : memref<10112x128xf32, #tpu.memory_space<vmem_shared>> -> memref<120x128xf32, #tpu.memory_space<vmem_shared>>
      %dma_start3A_49 = arith.constant 0 : i32
      %dma_start3A_50 = arith.constant 0 : i32
      %dma_start3A_51 = tpu.memref_slice %arg10[%dma_start3A_49, %dma_start3A_50] : memref<128x128xf32, #tpu.memory_space<vmem>> -> memref<120x128xf32, #tpu.memory_space<vmem>>
      %dma_start3A_52 = arith.constant 0 : i32
      %dma_start3A_53 = tpu.memref_slice %arg11[%add3A_42, %dma_start3A_52] : memref<10112x128xf32, #tpu.memory_space<vmem_shared>> -> memref<120x128xf32, #tpu.memory_space<vmem_shared>>
      tpu.enqueue_dma source(%dma_start3A_53 : memref<120x128xf32, #tpu.memory_space<vmem_shared>>) target(%dma_start3A_51 : memref<120x128xf32, #tpu.memory_space<vmem>>) target_semaphore(%run_scoped3A : memref<!tpu.dma_semaphore, #tpu.memory_space<semaphore_mem>>)
      %dma_wait3A = arith.constant 0 : i32
      %dma_wait3A_54 = arith.constant 0 : i32
      %dma_wait3A_55 = tpu.memref_slice %arg10[%dma_wait3A, %dma_wait3A_54] : memref<128x128xf32, #tpu.memory_space<vmem>> -> memref<120x128xf32, #tpu.memory_space<vmem>>
      %dma_wait3A_56 = arith.constant 0 : i32
      %dma_wait3A_57 = tpu.memref_slice %arg11[%add3A_42, %dma_wait3A_56] : memref<10112x128xf32, #tpu.memory_space<vmem_shared>> -> memref<120x128xf32, #tpu.memory_space<vmem_shared>>
      %dma_wait3A_58 = arith.constant 0 : i32
      %dma_wait3A_59 = arith.constant 0 : i32
      %dma_wait3A_60 = tpu.memref_slice %arg10[%dma_wait3A_58, %dma_wait3A_59] : memref<128x128xf32, #tpu.memory_space<vmem>> -> memref<120x128xf32, #tpu.memory_space<vmem>>
      %dma_wait3A_61 = arith.constant 0 : i32
      %dma_wait3A_62 = tpu.memref_slice %arg11[%add3A_42, %dma_wait3A_61] : memref<10112x128xf32, #tpu.memory_space<vmem_shared>> -> memref<120x128xf32, #tpu.memory_space<vmem_shared>>
      tpu.wait_dma2 semaphore(%run_scoped3A : memref<!tpu.dma_semaphore, #tpu.memory_space<semaphore_mem>>) src(%dma_wait3A_62 : memref<120x128xf32, #tpu.memory_space<vmem_shared>>) dst(%dma_wait3A_60 : memref<120x128xf32, #tpu.memory_space<vmem>>)
      tpu.yield
    }) : () -> ()
    %add3A_43 = arith.constant 512 : i32
    %add3A_44 = arith.addi %mul3A_2, %add3A_43 : i32
    "tpu.region"() ({
      %run_scoped3A = tpu.sem_alloc : memref<!tpu.dma_semaphore, #tpu.memory_space<semaphore_mem>>
      %dma_start3A = arith.constant 0 : i32
      %dma_start3A_45 = arith.constant 0 : i32
      %dma_start3A_46 = tpu.memref_slice %arg10[%dma_start3A, %dma_start3A_45] : memref<128x128xf32, #tpu.memory_space<vmem>> -> memref<120x128xf32, #tpu.memory_space<vmem>>
      %dma_start3A_47 = arith.constant 0 : i32
      %dma_start3A_48 = arith.constant 0 : i32
      %dma_start3A_49 = tpu.memref_slice %arg6[%arg0, %dma_start3A_47, %dma_start3A_48] : memref<2x10112x128xf32, #tpu.memory_space<hbm>> -> memref<1x10112x128xf32, #tpu.memory_space<hbm>>
      %dma_start3A_50 = tpu.memref_squeeze %dma_start3A_49 : memref<1x10112x128xf32, #tpu.memory_space<hbm>> -> memref<10112x128xf32, #tpu.memory_space<hbm>>
      %dma_start3A_51 = arith.constant 0 : i32
      %dma_start3A_52 = tpu.memref_slice %dma_start3A_50[%add3A_44, %dma_start3A_51] : memref<10112x128xf32, #tpu.memory_space<hbm>> -> memref<120x128xf32, #tpu.memory_space<hbm>>
      %dma_start3A_53 = arith.constant 0 : i32
      %dma_start3A_54 = arith.constant 0 : i32
      %dma_start3A_55 = tpu.memref_slice %arg6[%arg0, %dma_start3A_53, %dma_start3A_54] : memref<2x10112x128xf32, #tpu.memory_space<hbm>> -> memref<1x10112x128xf32, #tpu.memory_space<hbm>>
      %dma_start3A_56 = tpu.memref_squeeze %dma_start3A_55 : memref<1x10112x128xf32, #tpu.memory_space<hbm>> -> memref<10112x128xf32, #tpu.memory_space<hbm>>
      %dma_start3A_57 = arith.constant 0 : i32
      %dma_start3A_58 = tpu.memref_slice %dma_start3A_56[%add3A_44, %dma_start3A_57] : memref<10112x128xf32, #tpu.memory_space<hbm>> -> memref<120x128xf32, #tpu.memory_space<hbm>>
      %dma_start3A_59 = arith.constant 0 : i32
      %dma_start3A_60 = arith.constant 0 : i32
      %dma_start3A_61 = tpu.memref_slice %arg10[%dma_start3A_59, %dma_start3A_60] : memref<128x128xf32, #tpu.memory_space<vmem>> -> memref<120x128xf32, #tpu.memory_space<vmem>>
      tpu.enqueue_dma source(%dma_start3A_61 : memref<120x128xf32, #tpu.memory_space<vmem>>) target(%dma_start3A_58 : memref<120x128xf32, #tpu.memory_space<hbm>>) target_semaphore(%run_scoped3A : memref<!tpu.dma_semaphore, #tpu.memory_space<semaphore_mem>>)
      %dma_wait3A = arith.constant 0 : i32
      %dma_wait3A_62 = arith.constant 0 : i32
      %dma_wait3A_63 = tpu.memref_slice %arg10[%dma_wait3A, %dma_wait3A_62] : memref<128x128xf32, #tpu.memory_space<vmem>> -> memref<120x128xf32, #tpu.memory_space<vmem>>
      %dma_wait3A_64 = arith.constant 0 : i32
      %dma_wait3A_65 = arith.constant 0 : i32
      %dma_wait3A_66 = tpu.memref_slice %arg6[%arg0, %dma_wait3A_64, %dma_wait3A_65] : memref<2x10112x128xf32, #tpu.memory_space<hbm>> -> memref<1x10112x128xf32, #tpu.memory_space<hbm>>
      %dma_wait3A_67 = tpu.memref_squeeze %dma_wait3A_66 : memref<1x10112x128xf32, #tpu.memory_space<hbm>> -> memref<10112x128xf32, #tpu.memory_space<hbm>>
      %dma_wait3A_68 = arith.constant 0 : i32
      %dma_wait3A_69 = tpu.memref_slice %dma_wait3A_67[%add3A_44, %dma_wait3A_68] : memref<10112x128xf32, #tpu.memory_space<hbm>> -> memref<120x128xf32, #tpu.memory_space<hbm>>
      %dma_wait3A_70 = arith.constant 0 : i32
      %dma_wait3A_71 = arith.constant 0 : i32
      %dma_wait3A_72 = tpu.memref_slice %arg6[%arg0, %dma_wait3A_70, %dma_wait3A_71] : memref<2x10112x128xf32, #tpu.memory_space<hbm>> -> memref<1x10112x128xf32, #tpu.memory_space<hbm>>
      %dma_wait3A_73 = tpu.memref_squeeze %dma_wait3A_72 : memref<1x10112x128xf32, #tpu.memory_space<hbm>> -> memref<10112x128xf32, #tpu.memory_space<hbm>>
      %dma_wait3A_74 = arith.constant 0 : i32
      %dma_wait3A_75 = tpu.memref_slice %dma_wait3A_73[%add3A_44, %dma_wait3A_74] : memref<10112x128xf32, #tpu.memory_space<hbm>> -> memref<120x128xf32, #tpu.memory_space<hbm>>
      %dma_wait3A_76 = arith.constant 0 : i32
      %dma_wait3A_77 = arith.constant 0 : i32
      %dma_wait3A_78 = tpu.memref_slice %arg10[%dma_wait3A_76, %dma_wait3A_77] : memref<128x128xf32, #tpu.memory_space<vmem>> -> memref<120x128xf32, #tpu.memory_space<vmem>>
      tpu.wait_dma2 semaphore(%run_scoped3A : memref<!tpu.dma_semaphore, #tpu.memory_space<semaphore_mem>>) src(%dma_wait3A_78 : memref<120x128xf32, #tpu.memory_space<vmem>>) dst(%dma_wait3A_75 : memref<120x128xf32, #tpu.memory_space<hbm>>)
      tpu.yield
    }) : () -> ()
    return
  }
}

module attributes {stable_mosaic.version = 14 : i64} {
  func.func @_combine_body(%arg0: i32, %arg1: memref<1x1xf32, #tpu.memory_space<smem>>, %arg2: memref<1000x128xf32, #tpu.memory_space<vmem>>, %arg3: memref<2x1000x128xf32, #tpu.memory_space<vmem>>, %arg4: memref<1000x128xf32, #tpu.memory_space<vmem>>) attributes {dimension_semantics = [#tpu.dimension_semantics<arbitrary>], iteration_bounds = array<i64: 10>, scalar_prefetch = 0 : i64, scratch_operands = 0 : i64, tpu.core_type = #tpu.core_type<tc>, window_params = [{transform_indices = @transform_0, window_bounds = array<i64: 1, 1>}, {transform_indices = @transform_1, window_bounds = array<i64: 1000, 128>}, {transform_indices = @transform_2, window_bounds = array<i64: 2, 1000, 128>}, {transform_indices = @transform_3, window_bounds = array<i64: 1000, 128>}]} {
    %get3A = arith.constant 0 : index
    %get3A_0 = arith.constant 0 : index
    %get3A_1 = memref.load %arg1[%get3A, %get3A_0] : memref<1x1xf32, #tpu.memory_space<smem>>
    %get3A_2 = arith.constant 0 : index
    %get3A_3 = arith.constant 0 : index
    %get3A_4 = vector.load %arg2[%get3A_2, %get3A_3] : memref<1000x128xf32, #tpu.memory_space<vmem>>, vector<1000x128xf32>
    %mul3A = vector.broadcast %get3A_1 : f32 to vector<1000x128xf32>
    %mul3A_5 = arith.mulf %mul3A, %get3A_4 : vector<1000x128xf32>
    %get3A_6 = arith.constant 0 : index
    %get3A_7 = arith.constant 0 : index
    %get3A_8 = arith.constant 0 : index
    %get3A_9 = vector.load %arg3[%get3A_6, %get3A_7, %get3A_8] : memref<2x1000x128xf32, #tpu.memory_space<vmem>>, vector<1x1000x128xf32>
    %get3A_10 = vector.shape_cast %get3A_9 : vector<1x1000x128xf32> to vector<1000x128xf32>
    %add3A = arith.addf %mul3A_5, %get3A_10 : vector<1000x128xf32>
    %get3A_11 = arith.constant 1 : index
    %get3A_12 = arith.constant 0 : index
    %get3A_13 = arith.constant 0 : index
    %get3A_14 = vector.load %arg3[%get3A_11, %get3A_12, %get3A_13] : memref<2x1000x128xf32, #tpu.memory_space<vmem>>, vector<1x1000x128xf32>
    %get3A_15 = vector.shape_cast %get3A_14 : vector<1x1000x128xf32> to vector<1000x128xf32>
    %add3A_16 = arith.addf %add3A, %get3A_15 : vector<1000x128xf32>
    %swap3A = arith.constant 0 : index
    %swap3A_17 = arith.constant 0 : index
    %swap3A_18 = vector.load %arg4[%swap3A, %swap3A_17] : memref<1000x128xf32, #tpu.memory_space<vmem>>, vector<1000x128xf32>
    tpu.vector_store %arg4[%swap3A, %swap3A_17], %add3A_16 {strides = array<i32>} : memref<1000x128xf32, #tpu.memory_space<vmem>>, vector<1000x128xf32>,
    return
  }
  func.func @transform_0(%arg0: i32) -> (i32, i32) {
    %c0_i32 = arith.constant 0 : i32
    %c0_i32_0 = arith.constant 0 : i32
    %c0_i32_1 = arith.constant 0 : i32
    return %c0_i32, %c0_i32_0 : i32, i32
  }
  func.func @transform_1(%arg0: i32) -> (i32, i32) {
    %c0_i32 = arith.constant 0 : i32
    %c0_i32_0 = arith.constant 0 : i32
    return %arg0, %c0_i32 : i32, i32
  }
  func.func @transform_2(%arg0: i32) -> (i32, i32, i32) {
    %c0_i32 = arith.constant 0 : i32
    %c0_i32_0 = arith.constant 0 : i32
    %c0_i32_1 = arith.constant 0 : i32
    return %c0_i32, %arg0, %c0_i32_0 : i32, i32, i32
  }
  func.func @transform_3(%arg0: i32) -> (i32, i32) {
    %c0_i32 = arith.constant 0 : i32
    %c0_i32_0 = arith.constant 0 : i32
    return %arg0, %c0_i32 : i32, i32
  }
}

</mosaic_0001>

<sc_bundles>
// kernel: kernel.4.cloned.1.call-start
scs
__scs_entry_jumppad:
0x0: {  	(pc) =	sbr.rel $0x88, $3  }
0x1: {  	(tag) =	ssettag $0x0;
	lr =	simm.s32 $0x1  }
0x2: {  	[smem:$0x3F9E] =	sst lr;
	_ =	strace $0xD0000000  }
0x3: {  	_ = 	snop  }
0x4: {  	_ = 	snop  }
0x5: {  	_ = 	snop  }
0x6: {  	_ = 	snop  }
0x7: {  	_ = 	snop  }
__scs_overlays_trampoline_lowered:
0x8: {  	[smem:$0x3FAD] =	sst s0  }
0x9: {  	[smem:$0x3FAE] =	sst s1  }
0xa: {  	[smem:$0x3FAF] =	sst s2  }
0xb: {  	[smem:$0x3FB0] =	sst s3  }
0xc: {  	[smem:$0x3FB1] =	sst s4  }
0xd: {  	[smem:$0x3FB2] =	sst s5  }
0xe: {  	[smem:$0x3FB3] =	sst s6  }
0xf: {  	[smem:$0x3FB4] =	sst s7  }
0x10: {  	[smem:$0x3FB5] =	sst s8  }
0x11: {  	[smem:$0x3FB6] =	sst s9;
	s0 =	simm.s32 @!p0 $0x0  }
0x12: {  	s1 =	sld [smem:$0x3F9C];
	s0 =	simm.s32 @p0 $0x1  }
0x13: {  	[smem:$0x3FB7] =	sst s0;
	s0 =	simm.s32 @!p1 $0x0  }
0x14: {  	s2 =	sld [smem:$0x3F9B];
	s0 =	simm.s32 @p1 $0x1  }
0x15: {  	[smem:$0x3FB8] =	sst s0;
	s0 =	simm.s32 @!p2 $0x0  }
0x16: {  	s3 =	sld [smem:$0x3FDB];
	s0 =	simm.s32 @p2 $0x1  }
0x17: {  	s4 =	simm.s32 $0x1BF5;
	[smem:$0x3FBA] =	sst s0  }
0x18: {  	s0 =	sld [smem:$0x3F9D];
	_ =	swait.ge [sflag:s4], $0x0  }
0x19: {  	s7 =	sld [smem:$0x3F9E]  }
0x1a: {  	s8 =	sadd.s32 $0xFFFFE003, lr  }
0x1b: {  	s9 =	sadd.s32 $0xFFFFFEF7, lr;
	s5 =	simm.s32 $0xFFFFFFFF;
	p2 =	slt.u32 s8, $0xFFFFF086  }
0x1c: {  	p1 =	slt.u32 s9, $0xF7A;
	s5 =	simm.s32 @!p2 $0x0  }
0x1d: {  	s5 =	simm.s32 @p1 $0x1;
	p0 =	seq.s32 s7, s2  }
0x1e: {  	s7 =	smul.u32 @!p0 $0xF7A, s2;
	p2 =	seq.s32 @!p0 s5, $0x0  }
0x1f: {  	s9 =	smul.u32 $0xF7A, s1;
	s8 =	simm.s32 @!p0 $0x1BF5;
	p2 =	por !p2, p0  }
0x20: {  	[sflag:s8] =	ssyncset.s32 @!p0 $0xFFFFF086;
	s6 =	sadd.s32 @!p0 s3, s7;
	s7 =	simm.s32 @!p0 $0x108  }
0x21: {  	s3 =	sadd.s32 s3, s9;
	s6 =	sadd.s32 @!p0 $0x88, s6;
	s7 =	simm.s32 @p2 $0x1082  }
0x22: {  	[simem:s7], [sflag:s8] =	dma.local @!p0 [hbm:s6], $0xF7A  }
0x23: {  	s9 =	sor.u32 $0xD0000000, s2;
	s6 =	simm.s32 $0x108;
	_ =	swait.ge @!p0 [sflag:s8], $0x0  }
0x24: {  	s3 =	sadd.s32 $0x88, s3;
	s6 =	simm.s32 @!p1 $0x1082;
	[sflag:s4] =	ssyncset.s32 $0xFFFFF086  }
0x25: {  	[simem:s6], [sflag:s4] =	dma.local [hbm:s3], $0xF7A  }
0x26: {  	[smem:$0x3F9E] =	sst s1;
	(tag) =	ssettag s2;
	_ =	strace s9  }
0x27: {  	s1 =	sld [smem:$0x3FAE]  }
0x28: {  	s2 =	sld [smem:$0x3FAF]  }
0x29: {  	s4 =	sld [smem:$0x3FB1]  }
0x2a: {  	p0 =	seq.s32 s5, $0x0;
	s5 =	sld [smem:$0x3FB2]  }
0x2b: {  	s6 =	sld [smem:$0x3FB3]  }
0x2c: {  	s7 =	sld [smem:$0x3FB4]  }
0x2d: {  	s3 =	simm.s32 $0x108;
	s8 =	sld [smem:$0x3FB5]  }
0x2e: {  	s3 =	simm.s32 @!p0 $0x1082;
	s9 =	sld [smem:$0x3FB6]  }
0x2f: {  	lr =	sadd.s32 s0, s3;
	s0 =	sld [smem:$0x3FAD]  }
0x30: {  	s3 =	sld [smem:$0x3FB0]  }
0x31: {  	[smem:$0x3FB9] =	sst s10  }
0x32: {  	s10 =	sld [smem:$0x3FB7];
	_ =	sdelay $0x3  }
0x33: {  	p0 =	seq.s32 s10, $0x1;
	s10 =	sld [smem:$0x3FB9];
	_ =	sdelay $0x3  }
0x34: {  	[smem:$0x3FB9] =	sst s10  }
0x35: {  	s10 =	sld [smem:$0x3FB8];
	_ =	sdelay $0x3  }
0x36: {  	p1 =	seq.s32 s10, $0x1;
	s10 =	sld [smem:$0x3FB9];
	_ =	sdelay $0x3  }
0x37: {  	[smem:$0x3FB9] =	sst s10  }
0x38: {  	s10 =	sld [smem:$0x3FBA]  }
0x39: {  	_ = 	snop;
	(pc) =	sbr.ind lr, $3  }
0x3a: {  	_ = 	snop  }
0x3b: {  	_ = 	snop  }
0x3c: {  	p2 =	seq.s32 s10, $0x1;
	s10 =	sld [smem:$0x3FB9]  }
0x3d: {  	_ =	shalt  }
0x3e: {  	_ =	shalt  }
0x3f: {  	_ =	shalt  }
0x40: {  	_ =	shalt  }
0x41: {  	_ =	shalt  }
0x42: {  	_ =	shalt  }
0x43: {  	_ =	shalt  }
0x44: {  	_ =	shalt  }
0x45: {  	_ =	shalt  }
0x46: {  	_ =	shalt  }
0x47: {  	_ =	shalt  }
0x48: {  	_ =	shalt  }
0x49: {  	_ =	shalt  }
0x4a: {  	_ =	shalt  }
0x4b: {  	_ =	shalt  }
0x4c: {  	_ =	shalt  }
0x4d: {  	_ =	shalt  }
0x4e: {  	_ =	shalt  }
0x4f: {  	_ =	shalt  }
0x50: {  	_ =	shalt  }
0x51: {  	_ =	shalt  }
0x52: {  	_ =	shalt  }
0x53: {  	_ =	shalt  }
0x54: {  	_ =	shalt  }
0x55: {  	_ =	shalt  }
0x56: {  	_ =	shalt  }
0x57: {  	_ =	shalt  }
0x58: {  	_ =	shalt  }
0x59: {  	_ =	shalt  }
0x5a: {  	_ =	shalt  }
0x5b: {  	_ =	shalt  }
0x5c: {  	_ =	shalt  }
0x5d: {  	_ =	shalt  }
0x5e: {  	_ =	shalt  }
0x5f: {  	_ =	shalt  }
0x60: {  	_ =	shalt  }
0x61: {  	_ =	shalt  }
0x62: {  	_ =	shalt  }
0x63: {  	_ =	shalt  }
0x64: {  	_ =	shalt  }
0x65: {  	_ =	shalt  }
0x66: {  	_ =	shalt  }
0x67: {  	_ =	shalt  }
0x68: {  	_ =	shalt  }
0x69: {  	_ =	shalt  }
0x6a: {  	_ =	shalt  }
0x6b: {  	_ =	shalt  }
0x6c: {  	_ =	shalt  }
0x6d: {  	_ =	shalt  }
0x6e: {  	_ =	shalt  }
0x6f: {  	_ =	shalt  }
0x70: {  	_ =	shalt  }
0x71: {  	_ =	shalt  }
0x72: {  	_ =	shalt  }
0x73: {  	_ =	shalt  }
0x74: {  	_ =	shalt  }
0x75: {  	_ =	shalt  }
0x76: {  	_ =	shalt  }
0x77: {  	_ =	shalt  }
0x78: {  	_ =	shalt  }
0x79: {  	_ =	shalt  }
0x7a: {  	_ =	shalt  }
0x7b: {  	_ =	shalt  }
0x7c: {  	_ =	shalt  }
0x7d: {  	_ =	shalt  }
0x7e: {  	_ =	shalt  }
0x7f: {  	_ =	shalt  }
0x80: {  	_ =	shalt  }
0x81: {  	_ =	shalt  }
0x82: {  	_ =	shalt  }
0x83: {  	_ =	shalt  }
0x84: {  	_ =	shalt  }
0x85: {  	_ =	shalt  }
0x86: {  	_ =	shalt  }
0x87: {  	_ =	shalt  }
.Lfunc_end0:
.L_simem_size_0:
called_computation_lowered:
.L_overlay_start_0:
0x88: {  	s2 =	sld [smem:$0x3FD9]  }
0x89: {  	s3 =	sld [smem:$0x3FFE];
	_ =	sdelay $0x1  }
0x8a: {  	s1 =	srdreg.scid  }
0x8b: {  	s0 =	sand.u32 $0x1, s1  }
0x8c: {  	s17 =	sshll.u32 s0, $0xA;
	s2 =	sadd.s32 s3, s2  }
0x8d: {  	s2 =	sadd.s32 s2, s17  }
0x8e: {  	[smem:$0x3FC5] =	sst s2  }
0x8f: {  	_ = 	snop  }
0x90: {  	s2 =	sld [smem:$0x3FC9]  }
0x91: {  	s18 =	sld [smem:$0x3FD0];
	(tm) =	ssettm $0x1  }
0x92: {  	s4 =	sld [smem:$0x3FFB];
	_ =	sdelay $0x3  }
0x93: {  	_ =	strace s4  }
0x94: {  	s4 =	sld [smem:$0x3FFC];
	_ =	sdelay $0x3  }
0x95: {  	_ =	strace s4  }
0x96: {  	s4 =	sld [smem:$0x3FFD];
	_ =	sdelay $0x3  }
0x97: {  	_ =	strace s4  }
0x98: {  	_ =	strace $0x8FFFFFFF  }
0x99: {  	s19 =	sld [smem:$0x3FDB];
	_ =	sdelay $0x1  }
0x9a: {  	s5 =	simm.s32 $_scs_section_size  }
0x9b: {  	s6 =	simm.s32 $_size__tile_overlayer_lowered;
	s7 =	simm.s32 $_tile_overlayer_lowered  }
0x9c: {  	s22 =	simm.s32 $0x1BFF;
	s21 =	sshll.u32 s7, $0x1;
	s4 =	sadd.s32 s5, s19  }
0x9d: {  	s8 =	simm.s32 $0x0;
	s20 =	sshll.u32 s6, $0x1;
	s6 =	sadd.s32 s21, s4  }
0x9e: {  	[timem:s8], [sflag:s22] =	dma.local [hbm:s6], s20  }
0x9f: {  	_ =	swait.ge [sflag:s22], s20  }
0xa0: {  	s5 =	ssub.s32 $0x0, s20;
	[sflag:s22] =	ssyncset.done $0x0  }
0xa1: {  	[sflag:s22] =	ssyncadd.s32 s5;
	_ =	sdelay $0x1  }
0xa2: {  	s23 =	simm.s32 $0x1B8B  }
0xa3: {  	_ =	swait.ge [sflag:s23], $0x1  }
0xa4: {  	[sflag:s23] =	ssyncset.done $0x0  }
0xa5: {  	s25 =	simm.s32 $0x1B8E;
	s24 =	sld [smem:$0x3FFE];
	[sflag:s23] =	ssyncadd.s32 $0xFFFFFFFF  }
0xa6: {  	s26 =	simm.s32 $execute0_lowered;
	[smem:$0x3FD2] =	sst s25  }
0xa7: {  	s6 =	sshll.u32 s26, $0x1;
	_ =	strace $0x80000046;
	[dreg:$0x1] =	wrdreg $0xFFFFFFFF  }
0xa8: {  	s28 =	simm.s32 $_size_execute0_lowered;
	s4 =	sadd.s32 s4, s6;
	[dreg:$0x0] =	wrdreg $0x0  }
0xa9: {  	s6 =	sshll.u32 s28, $0x1;
	[dreg:$0x2] =	wrdreg s4  }
0xaa: {  	[dreg:$0x3] =	wrdreg s6  }
0xab: {  	[dreg:$0x4] =	wrdreg $0xC0  }
0xac: {  	_ =	task [dreg:s8], $0x5FFFF  }
0xad: {  	[dreg:$0x1] =	wrdreg $0xFFFFFFFF  }
0xae: {  	[dreg:$0x0] =	wrdreg $0x60  }
0xaf: {  	[dreg:$0x2] =	wrdreg s2  }
0xb0: {  	[dreg:$0x3] =	wrdreg s18  }
0xb1: {  	[dreg:$0x4] =	wrdreg s24  }
0xb2: {  	[dreg:$0x5] =	wrdreg $0xA8000  }
0xb3: {  	[dreg:$0x6] =	wrdreg $0x9  }
0xb4: {  	_ =	task.clear_ibuf [dreg:s8], $0x7FFFF;
	_ =	strace $0x90000046  }
0xb5: {  	s29 =	simm.s32 $0x9;
	_ =	strace $0x80000048  }
0xb6: {  	_ =	swait.ge [sflag:s29], $0x1  }
0xb7: {  	[sflag:s29] =	ssyncadd.s32 $0xFFFFFFFF  }
0xb8: {  	_ =	strace $0x90000048  }
0xb9: {  	_ =	sfence  }
0xba: {  	s30 =	sld [smem:$0x0];
	_ =	sdelay $0x2  }
0xbb: {  	s31 =	sshll.u32 s1, $0xD;
	s1 =	sshrl.u32 s1, $0x2  }
0xbc: {  	s3 =	sand.u32 $0x4000, s31;
	s1 =	sadd.s32 s1, s30  }
0xbd: {  	s0 =	sor.u32 s3, s0;
	s1 =	sshll.u32 s1, $0x11  }
0xbe: {  	s0 =	sor.u32 s1, s0  }
0xbf: {  	s0 =	sadd.s32 $0x8F2B, s0  }
0xc0: {  	[sflag:s0] =	ssyncadd.remote.s32 $0x1  }
0xc1: {  	_ =	sfence.sel $0xFFFF  }
0xc2: {  	[dreg:$0x0] =	wrdreg $0xFFFFFFFF;
	(pc) =	sbr.abs _section_cstart, $3  }
0xc3: {  	[dreg:$0x1] =	wrdreg $0xFFFFFFFF  }
0xc4: {  	_ =	task.clear_ibuf [dreg:s8], $0x2FFFF;
	_ =	strace $0x9FFFFFFF  }
0xc5: {  	(tm) =	ssettm $0x7FFFFFFF  }
tec
execute0_lowered:
.L_overlay_start_1:
0x0: {  	(tag) =	ssettag $0x1  }
0x1: {  	s1 =	rddreg [dreg:$0x0]  }
0x2: {  	s11 =	rddreg [dreg:$0x1]  }
0x3: {  	s2 =	srdreg.scid;
	s6 =	rddreg [dreg:$0x2]  }
0x4: {  	s0 =	stileid.u32;
	s3 =	rddreg [dreg:$0x3]  }
0x5: {  	s4 =	simm.s32 $0x0;
	s28 =	simm.s32 $0x4;
	s9 =	smul.u32 $0x278, s0  }
0x6: {  	s29 =	simm.s32 $0x0;
	s7 =	sand.u32 $0x1, s2;
	s10 =	smul.u32 $0x4F000, s0  }
0x7: {  	s22 =	sshll.u32 s0, $0x1;
	[smem:$0x7FF] =	sst s4;
	s20 =	smul.u32 $0x2780, s0  }
0x8: {  	s5 =	sor.u32 s7, s22;
	s8 =	smul.u32 $0x27800, s7;
	_ =	strace $0x80000047  }
0x9: {  	s23 =	ssub.s32 $0x2, s7;
	s12 =	smul.u32 $0x500, s5;
	s5 =	sadd.s32 $0xA600, s6  }
0xa: {  	s15 =	sadd.s32 $0x80, s9;
	s7 =	sshrl.u32 s23, $0x1;
	s24 =	sshrl.u32 s10, $0x2  }
0xb: {  	s17 =	sadd.s32 $0x100, s9;
	s18 =	sadd.s32 $0x180, s9;
	s19 =	sadd.s32 $0x200, s9  }
0xc: {  	s14 =	sadd.s32 s8, s6;
	s25 =	sshll.u32 s15, $0x7;
	s16 =	ssub.s32 s23, s7  }
0xd: {  	s26 =	sshll.u32 s17, $0x7;
	s30 =	sshll.u32 s18, $0x7;
	s31 =	sshll.u32 s19, $0x7  }
0xe: {  	s21 =	sshll.u32 s15, $0x4;
	s22 =	sshll.u32 s17, $0x4;
	s23 =	sshll.u32 s18, $0x4  }
0xf: {  	s15 =	simm.s32 $0x5;
	s17 =	simm.s32 $0x80;
	s18 =	simm.s32 $0x6800  }
0x10: {  	s13 =	sadd.s32 s12, s6;
	s6 =	sadd.s32 s24, s3;
	s7 =	sadd.s32 s25, s3  }
0x11: {  	s8 =	sadd.s32 s26, s3;
	s9 =	sadd.s32 s30, s3;
	s10 =	sadd.s32 s31, s3  }
0x12: {  	s11 =	sadd.s32 s11, s12;
	s24 =	sadd.s32 $0xAE00, s14;
	s25 =	sshll.u32 s19, $0x4  }
0x13: {  	s14 =	simm.s32 $0x2800;
	s19 =	simm.s32 $0x1;
	s26 =	simm.s32 $0x3  }
0x14: {  	s12 =	sadd.s32 $0x600, s13;
	s13 =	smax.u32 s16, $0x1;
	s16 =	simm.s32 $0x1400  }
0x15: {  	s20 =	sadd.s32 s20, s24;
	s21 =	sadd.s32 s21, s24;
	s22 =	sadd.s32 s22, s24  }
0x16: {  	s23 =	sadd.s32 s23, s24;
	s24 =	sadd.s32 s25, s24;
	s25 =	simm.s32 $0x2  }
.LBB2_1:
0x17: {  	[tilespmem:s14], [sflag:$0x5] =	stream.linear.gather [hbm4b:s5+s4], $0x4000, $0x38;
	[tilespmem:$0x1E400] =	vst v63  }
0x18: {  	_ =	swait.ge [sflag:s15], $0x4000  }
0x19: {  	[sflag:s15] =	ssyncset.done $0x0  }
0x1a: {  	[sflag:s15] =	ssyncadd.s32 $0xFFFFC000  }
0x1b: {  	[spmem:s6] =	stream.linear.scatter [tilespmem:s14], [sflag:$0x5], $0x4000, $0x38;
	[tilespmem:$0x1E400] =	vst v63  }
0x1c: {  	_ =	swait.ge [sflag:s15], $0x4000  }
0x1d: {  	[sflag:s15] =	ssyncset.done $0x0  }
0x1e: {  	[sflag:s15] =	ssyncadd.s32 $0xFFFFC000  }
0x1f: {  	[spmem:s7] =	stream.linear.scatter [tilespmem:s14], [sflag:$0x5], $0x4000, $0x38;
	[tilespmem:$0x1E400] =	vst v63  }
0x20: {  	_ =	swait.ge [sflag:s15], $0x4000  }
0x21: {  	[sflag:s15] =	ssyncset.done $0x0  }
0x22: {  	[sflag:s15] =	ssyncadd.s32 $0xFFFFC000  }
0x23: {  	[spmem:s8] =	stream.linear.scatter [tilespmem:s14], [sflag:$0x5], $0x4000, $0x38;
	[tilespmem:$0x1E400] =	vst v63  }
0x24: {  	_ =	swait.ge [sflag:s15], $0x4000  }
0x25: {  	[sflag:s15] =	ssyncset.done $0x0  }
0x26: {  	[sflag:s15] =	ssyncadd.s32 $0xFFFFC000  }
0x27: {  	[spmem:s9] =	stream.linear.scatter [tilespmem:s14], [sflag:$0x5], $0x4000, $0x38;
	[tilespmem:$0x1E400] =	vst v63  }
0x28: {  	_ =	swait.ge [sflag:s15], $0x4000  }
0x29: {  	[sflag:s15] =	ssyncset.done $0x0  }
0x2a: {  	[sflag:s15] =	ssyncadd.s32 $0xFFFFC000  }
0x2b: {  	[spmem:s10] =	stream.linear.scatter [tilespmem:s14], [sflag:$0x5], $0x3C00, $0x38;
	[tilespmem:$0x1E400] =	vst v63  }
0x2c: {  	_ =	swait.ge [sflag:s15], $0x3C00  }
0x2d: {  	[sflag:s15] =	ssyncset.done $0x0  }
0x2e: {  	[sflag:s15] =	ssyncadd.s32 $0xFFFFC400  }
0x2f: {  	[bflag:$0x0] =	sbarrier.arrive $0xFFFF  }
0x30: {  	[tilespmem:s4], [sflag:$0x5] =	stream.linear.gather [hbm4b:s11+s4], $0x1400, $0x38;
	[tilespmem:$0x1E400] =	vst v63  }
0x31: {  	_ =	swait.ge [sflag:s15], $0x1400  }
0x32: {  	[sflag:s15] =	ssyncset.done $0x0  }
0x33: {  	[sflag:s15] =	ssyncadd.s32 $0xFFFFEC00  }
0x34: {  	[tilespmem:s16], [sflag:$0x5] =	stream.linear.gather [hbm4b:s12+s4], $0x1400, $0x38;
	[tilespmem:$0x1E400] =	vst v63  }
0x35: {  	_ =	swait.ge [sflag:s15], $0x1400  }
0x36: {  	[sflag:s15] =	ssyncset.done $0x0  }
0x37: {  	s30 =	simm.s32 $0x0;
	[sflag:s15] =	ssyncadd.s32 $0xFFFFEC00  }
0x38: {  	[tilespmem:s14], [sflag:$0x1] =	stream.indirect.gather [hbm4b:s1+s17], $0x80, s30, s17, $0xb8;
	[tilespmem:$0x1E400] =	vst v63  }
0x39: {  	s30 =	simm.s32 $0x80  }
0x3a: {  	[tilespmem:s18], [sflag:$0x2] =	stream.indirect.gather [hbm4b:s1+s17], $0x80, s30, s17, $0xb8;
	[tilespmem:$0x1E400] =	vst v63  }
0x3b: {  	_ =	swait.ge [sflag:s19], $0x4000  }
0x3c: {  	[sflag:s19] =	ssyncset.done $0x0  }
0x3d: {  	s30 =	simm.s32 $0x1400;
	[sflag:s19] =	ssyncadd.s32 $0xFFFFC000  }
0x3e: {  	[spmem:s3] =	stream.indirect.scatter.add.f32 [tilespmem:s14], [sflag:$0x3], $0x80, s30, s17, $0xb8;
	[tilespmem:$0x1E400] =	vst v63  }
0x3f: {  	_ =	swait.ge [sflag:s25], $0x4000  }
0x40: {  	[sflag:s25] =	ssyncset.done $0x0  }
0x41: {  	s30 =	simm.s32 $0x1480;
	[sflag:s25] =	ssyncadd.s32 $0xFFFFC000  }
0x42: {  	[spmem:s3] =	stream.indirect.scatter.add.f32 [tilespmem:s18], [sflag:$0x4], $0x80, s30, s17, $0xb8;
	[tilespmem:$0x1E400] =	vst v63  }
0x43: {  	_ =	swait.ge [sflag:s26], $0x4000  }
0x44: {  	[sflag:s26] =	ssyncset.done $0x0  }
0x45: {  	[sflag:s26] =	ssyncadd.s32 $0xFFFFC000  }
0x46: {  	_ =	swait.ge [sflag:s28], $0x4000  }
0x47: {  	s31 =	simm.s32 $0x800;
	s30 =	simm.s32 $0x400;
	[sflag:s28] =	ssyncset.done $0x0  }
.LBB2_2:
0x48: {  	s2 =	sshra.s32 s30, $0x2  }
0x49: {  	[sflag:s28] =	ssyncadd.s32 $0xFFFFC000;
	s30 =	smov.u32 s31;
	s0 =	sadd.s32 $0x400, s31  }
0x4a: {  	[tilespmem:s14], [sflag:$0x1] =	stream.indirect.gather [hbm4b:s1+s17], $0x80, s2, s17, $0xb8;
	[tilespmem:$0x1E400] =	vst v63  }
0x4b: {  	p0 =	sne.s32 s31, $0x4C00;
	s31 =	sadd.s32 $0x80, s2  }
0x4c: {  	[tilespmem:s18], [sflag:$0x2] =	stream.indirect.gather [hbm4b:s1+s17], $0x80, s31, s17, $0xb8;
	[tilespmem:$0x1E400] =	vst v63  }
0x4d: {  	_ =	swait.ge [sflag:s19], $0x4000  }
0x4e: {  	[sflag:s19] =	ssyncset.done $0x0  }
0x4f: {  	s31 =	sadd.s32 $0x1400, s2;
	[sflag:s19] =	ssyncadd.s32 $0xFFFFC000  }
0x50: {  	[spmem:s3] =	stream.indirect.scatter.add.f32 [tilespmem:s14], [sflag:$0x3], $0x80, s31, s17, $0xb8;
	[tilespmem:$0x1E400] =	vst v63  }
0x51: {  	_ =	swait.ge [sflag:s25], $0x4000  }
0x52: {  	[sflag:s25] =	ssyncset.done $0x0  }
0x53: {  	s2 =	sadd.s32 $0x1480, s2;
	[sflag:s25] =	ssyncadd.s32 $0xFFFFC000  }
0x54: {  	[spmem:s3] =	stream.indirect.scatter.add.f32 [tilespmem:s18], [sflag:$0x4], $0x80, s2, s17, $0xb8;
	[tilespmem:$0x1E400] =	vst v63  }
.Ltmp0:
0x55: {  	_ =	swait.ge [sflag:s26], $0x4000;
	(pc) =	sbr.rel @p0 .LBB2_2-.Ltmp0, $4  }
0x56: {  	[sflag:s26] =	ssyncset.done $0x0  }
0x57: {  	[sflag:s26] =	ssyncadd.s32 $0xFFFFC000  }
0x58: {  	_ =	swait.ge [sflag:s28], $0x4000  }
0x59: {  	s31 =	smov.u32 s0;
	[sflag:s28] =	ssyncset.done $0x0  }
0x5a: {  	s0 =	sshra.s32 s30, $0x2;
	[sflag:s28] =	ssyncadd.s32 $0xFFFFC000  }
0x5b: {  	[tilespmem:s14], [sflag:$0x1] =	stream.indirect.gather [hbm4b:s1+s17], $0x80, s0, s17, $0xb8;
	[tilespmem:$0x1E400] =	vst v63  }
0x5c: {  	s2 =	sadd.s32 $0x80, s0  }
0x5d: {  	[tilespmem:s18], [sflag:$0x2] =	stream.indirect.gather [hbm4b:s1+s17], $0x80, s2, s17, $0xb8;
	[tilespmem:$0x1E400] =	vst v63  }
0x5e: {  	_ =	swait.ge [sflag:s19], $0x4000  }
0x5f: {  	[sflag:s19] =	ssyncset.done $0x0  }
0x60: {  	s2 =	sadd.s32 $0x1400, s0;
	[sflag:s19] =	ssyncadd.s32 $0xFFFFC000  }
0x61: {  	[spmem:s3] =	stream.indirect.scatter.add.f32 [tilespmem:s14], [sflag:$0x3], $0x80, s2, s17, $0xb8;
	[tilespmem:$0x1E400] =	vst v63  }
0x62: {  	_ =	swait.ge [sflag:s25], $0x4000  }
0x63: {  	[sflag:s25] =	ssyncset.done $0x0  }
0x64: {  	s0 =	sadd.s32 $0x1480, s0;
	[sflag:s25] =	ssyncadd.s32 $0xFFFFC000  }
0x65: {  	[spmem:s3] =	stream.indirect.scatter.add.f32 [tilespmem:s18], [sflag:$0x4], $0x80, s0, s17, $0xb8;
	[tilespmem:$0x1E400] =	vst v63  }
0x66: {  	_ =	swait.ge [sflag:s26], $0x4000  }
0x67: {  	[sflag:s26] =	ssyncset.done $0x0  }
0x68: {  	[sflag:s26] =	ssyncadd.s32 $0xFFFFC000  }
0x69: {  	_ =	swait.ge [sflag:s28], $0x4000  }
0x6a: {  	[sflag:s28] =	ssyncset.done $0x0  }
0x6b: {  	s2 =	simm.s32 $0x0;
	s0 =	sadd.s32 $0x280, s11;
	[sflag:s28] =	ssyncadd.s32 $0xFFFFC000  }
0x6c: {  	[tilespmem:s2], [sflag:$0x5] =	stream.linear.gather [hbm4b:s0+s2], $0x1400, $0x38;
	[tilespmem:$0x1E400] =	vst v63  }
0x6d: {  	_ =	swait.ge [sflag:s15], $0x1400  }
0x6e: {  	[sflag:s15] =	ssyncset.done $0x0  }
0x6f: {  	s0 =	sadd.s32 $0x280, s12;
	[sflag:s15] =	ssyncadd.s32 $0xFFFFEC00  }
0x70: {  	[tilespmem:s16], [sflag:$0x5] =	stream.linear.gather [hbm4b:s0+s2], $0x1400, $0x38;
	[tilespmem:$0x1E400] =	vst v63  }
0x71: {  	_ =	swait.ge [sflag:s15], $0x1400  }
0x72: {  	[sflag:s15] =	ssyncset.done $0x0  }
0x73: {  	s2 =	simm.s32 $0x0;
	[sflag:s15] =	ssyncadd.s32 $0xFFFFEC00  }
0x74: {  	[tilespmem:s14], [sflag:$0x1] =	stream.indirect.gather [hbm4b:s1+s17], $0x80, s2, s17, $0xb8;
	[tilespmem:$0x1E400] =	vst v63  }
0x75: {  	s2 =	simm.s32 $0x80  }
0x76: {  	[tilespmem:s18], [sflag:$0x2] =	stream.indirect.gather [hbm4b:s1+s17], $0x80, s2, s17, $0xb8;
	[tilespmem:$0x1E400] =	vst v63  }
0x77: {  	_ =	swait.ge [sflag:s19], $0x4000  }
0x78: {  	[sflag:s19] =	ssyncset.done $0x0  }
0x79: {  	s2 =	simm.s32 $0x1400;
	[sflag:s19] =	ssyncadd.s32 $0xFFFFC000  }
0x7a: {  	[spmem:s3] =	stream.indirect.scatter.add.f32 [tilespmem:s14], [sflag:$0x3], $0x80, s2, s17, $0xb8;
	[tilespmem:$0x1E400] =	vst v63  }
0x7b: {  	_ =	swait.ge [sflag:s25], $0x4000  }
0x7c: {  	[sflag:s25] =	ssyncset.done $0x0  }
0x7d: {  	s2 =	simm.s32 $0x1480;
	[sflag:s25] =	ssyncadd.s32 $0xFFFFC000  }
0x7e: {  	[spmem:s3] =	stream.indirect.scatter.add.f32 [tilespmem:s18], [sflag:$0x4], $0x80, s2, s17, $0xb8;
	[tilespmem:$0x1E400] =	vst v63  }
0x7f: {  	_ =	swait.ge [sflag:s26], $0x4000  }
0x80: {  	[sflag:s26] =	ssyncset.done $0x0  }
0x81: {  	[sflag:s26] =	ssyncadd.s32 $0xFFFFC000  }
0x82: {  	_ =	swait.ge [sflag:s28], $0x4000  }
0x83: {  	s30 =	simm.s32 $0x400;
	s31 =	simm.s32 $0x800;
	[sflag:s28] =	ssyncset.done $0x0  }
.LBB2_4:
0x84: {  	s0 =	sshra.s32 s30, $0x2  }
0x85: {  	[sflag:s28] =	ssyncadd.s32 $0xFFFFC000;
	s30 =	smov.u32 s31;
	s2 =	sadd.s32 $0x400, s31  }
0x86: {  	[tilespmem:s14], [sflag:$0x1] =	stream.indirect.gather [hbm4b:s1+s17], $0x80, s0, s17, $0xb8;
	[tilespmem:$0x1E400] =	vst v63  }
0x87: {  	p0 =	sne.s32 s31, $0x4C00;
	s31 =	sadd.s32 $0x80, s0  }
0x88: {  	[tilespmem:s18], [sflag:$0x2] =	stream.indirect.gather [hbm4b:s1+s17], $0x80, s31, s17, $0xb8;
	[tilespmem:$0x1E400] =	vst v63  }
0x89: {  	_ =	swait.ge [sflag:s19], $0x4000  }
0x8a: {  	[sflag:s19] =	ssyncset.done $0x0  }
0x8b: {  	s31 =	sadd.s32 $0x1400, s0;
	[sflag:s19] =	ssyncadd.s32 $0xFFFFC000  }
0x8c: {  	[spmem:s3] =	stream.indirect.scatter.add.f32 [tilespmem:s14], [sflag:$0x3], $0x80, s31, s17, $0xb8;
	[tilespmem:$0x1E400] =	vst v63  }
0x8d: {  	_ =	swait.ge [sflag:s25], $0x4000  }
0x8e: {  	[sflag:s25] =	ssyncset.done $0x0  }
0x8f: {  	s0 =	sadd.s32 $0x1480, s0;
	[sflag:s25] =	ssyncadd.s32 $0xFFFFC000  }
0x90: {  	[spmem:s3] =	stream.indirect.scatter.add.f32 [tilespmem:s18], [sflag:$0x4], $0x80, s0, s17, $0xb8;
	[tilespmem:$0x1E400] =	vst v63  }
.Ltmp1:
0x91: {  	_ =	swait.ge [sflag:s26], $0x4000;
	(pc) =	sbr.rel @p0 .LBB2_4-.Ltmp1, $4  }
0x92: {  	[sflag:s26] =	ssyncset.done $0x0  }
0x93: {  	[sflag:s26] =	ssyncadd.s32 $0xFFFFC000  }
0x94: {  	_ =	swait.ge [sflag:s28], $0x4000  }
0x95: {  	s31 =	smov.u32 s2;
	[sflag:s28] =	ssyncset.done $0x0  }
0x96: {  	s0 =	sshra.s32 s30, $0x2;
	[sflag:s28] =	ssyncadd.s32 $0xFFFFC000  }
0x97: {  	[tilespmem:s14], [sflag:$0x1] =	stream.indirect.gather [hbm4b:s1+s17], $0x80, s0, s17, $0xb8;
	[tilespmem:$0x1E400] =	vst v63  }
0x98: {  	s2 =	sadd.s32 $0x80, s0  }
0x99: {  	[tilespmem:s18], [sflag:$0x2] =	stream.indirect.gather [hbm4b:s1+s17], $0x80, s2, s17, $0xb8;
	[tilespmem:$0x1E400] =	vst v63  }
0x9a: {  	_ =	swait.ge [sflag:s19], $0x4000  }
0x9b: {  	[sflag:s19] =	ssyncset.done $0x0  }
0x9c: {  	s31 =	sadd.s32 $0x1400, s0;
	[sflag:s19] =	ssyncadd.s32 $0xFFFFC000  }
0x9d: {  	[spmem:s3] =	stream.indirect.scatter.add.f32 [tilespmem:s14], [sflag:$0x3], $0x80, s31, s17, $0xb8;
	[tilespmem:$0x1E400] =	vst v63  }
0x9e: {  	_ =	swait.ge [sflag:s25], $0x4000  }
0x9f: {  	[sflag:s25] =	ssyncset.done $0x0  }
0xa0: {  	s0 =	sadd.s32 $0x1480, s0;
	[sflag:s25] =	ssyncadd.s32 $0xFFFFC000  }
0xa1: {  	[spmem:s3] =	stream.indirect.scatter.add.f32 [tilespmem:s18], [sflag:$0x4], $0x80, s0, s17, $0xb8;
	[tilespmem:$0x1E400] =	vst v63  }
0xa2: {  	_ =	swait.ge [sflag:s26], $0x4000  }
0xa3: {  	[sflag:s26] =	ssyncset.done $0x0  }
0xa4: {  	[sflag:s26] =	ssyncadd.s32 $0xFFFFC000  }
0xa5: {  	_ =	swait.ge [sflag:s28], $0x4000  }
0xa6: {  	[sflag:s28] =	ssyncset.done $0x0  }
0xa7: {  	[sflag:s28] =	ssyncadd.s32 $0xFFFFC000  }
0xa8: {  	[bflag:$0x0] =	sbarrier.arrive $0xFFFF  }
0xa9: {  	[tilespmem:s14], [sflag:$0x5] =	stream.linear.gather [spmem:s6], $0x4000, $0x38;
	[tilespmem:$0x1E400] =	vst v63  }
0xaa: {  	_ =	swait.ge [sflag:s15], $0x4000  }
0xab: {  	[sflag:s15] =	ssyncset.done $0x0  }
0xac: {  	[sflag:s15] =	ssyncadd.s32 $0xFFFFC000  }
0xad: {  	[hbm4b:s20+s4] =	stream.linear.scatter [tilespmem:s14], [sflag:$0x5], $0x4000, $0x38;
	[tilespmem:$0x1E400] =	vst v63  }
0xae: {  	_ =	swait.ge [sflag:s15], $0x4000  }
0xaf: {  	[sflag:s15] =	ssyncset.done $0x0  }
0xb0: {  	[sflag:s15] =	ssyncadd.s32 $0xFFFFC000  }
0xb1: {  	[tilespmem:s14], [sflag:$0x5] =	stream.linear.gather [spmem:s7], $0x4000, $0x38;
	[tilespmem:$0x1E400] =	vst v63  }
0xb2: {  	_ =	swait.ge [sflag:s15], $0x4000  }
0xb3: {  	[sflag:s15] =	ssyncset.done $0x0  }
0xb4: {  	[sflag:s15] =	ssyncadd.s32 $0xFFFFC000  }
0xb5: {  	[hbm4b:s21+s4] =	stream.linear.scatter [tilespmem:s14], [sflag:$0x5], $0x4000, $0x38;
	[tilespmem:$0x1E400] =	vst v63  }
0xb6: {  	_ =	swait.ge [sflag:s15], $0x4000  }
0xb7: {  	[sflag:s15] =	ssyncset.done $0x0  }
0xb8: {  	[sflag:s15] =	ssyncadd.s32 $0xFFFFC000  }
0xb9: {  	[tilespmem:s14], [sflag:$0x5] =	stream.linear.gather [spmem:s8], $0x4000, $0x38;
	[tilespmem:$0x1E400] =	vst v63  }
0xba: {  	_ =	swait.ge [sflag:s15], $0x4000  }
0xbb: {  	[sflag:s15] =	ssyncset.done $0x0  }
0xbc: {  	[sflag:s15] =	ssyncadd.s32 $0xFFFFC000  }
0xbd: {  	[hbm4b:s22+s4] =	stream.linear.scatter [tilespmem:s14], [sflag:$0x5], $0x4000, $0x38;
	[tilespmem:$0x1E400] =	vst v63  }
0xbe: {  	_ =	swait.ge [sflag:s15], $0x4000  }
0xbf: {  	[sflag:s15] =	ssyncset.done $0x0  }
0xc0: {  	[sflag:s15] =	ssyncadd.s32 $0xFFFFC000  }
0xc1: {  	[tilespmem:s14], [sflag:$0x5] =	stream.linear.gather [spmem:s9], $0x4000, $0x38;
	[tilespmem:$0x1E400] =	vst v63  }
0xc2: {  	_ =	swait.ge [sflag:s15], $0x4000  }
0xc3: {  	[sflag:s15] =	ssyncset.done $0x0  }
0xc4: {  	[sflag:s15] =	ssyncadd.s32 $0xFFFFC000  }
0xc5: {  	[hbm4b:s23+s4] =	stream.linear.scatter [tilespmem:s14], [sflag:$0x5], $0x4000, $0x38;
	[tilespmem:$0x1E400] =	vst v63  }
0xc6: {  	_ =	swait.ge [sflag:s15], $0x4000  }
0xc7: {  	[sflag:s15] =	ssyncset.done $0x0  }
0xc8: {  	[sflag:s15] =	ssyncadd.s32 $0xFFFFC000  }
0xc9: {  	[tilespmem:s18], [sflag:$0x5] =	stream.linear.gather [spmem:s10], $0x3C00, $0x38;
	[tilespmem:$0x1E400] =	vst v63  }
0xca: {  	s29 =	sadd.s32 $0x1, s29;
	_ =	swait.ge [sflag:s15], $0x3C00  }
0xcb: {  	p0 =	sne.s32 s29, s13;
	[sflag:s15] =	ssyncset.done $0x0  }
.Ltmp2:
0xcc: {  	[sflag:s15] =	ssyncadd.s32 $0xFFFFC400;
	(pc) =	sbr.rel @p0 .LBB2_1-.Ltmp2, $4  }
0xcd: {  	[hbm4b:s24+s4] =	stream.linear.scatter [tilespmem:s18], [sflag:$0x5], $0x3C00, $0x38;
	[tilespmem:$0x1E400] =	vst v63  }
0xce: {  	_ =	swait.ge [sflag:s15], $0x3C00  }
0xcf: {  	[sflag:s15] =	ssyncset.done $0x0  }
0xd0: {  	[sflag:s15] =	ssyncadd.s32 $0xFFFFC400  }
0xd1: {  	_ =	sfence.sel $0x180000  }
0xd2: {  	[bflag:$0x0] =	sbarrier.arrive $0xFFFF  }
0xd3: {  	_ =	strace $0x90000047  }
0xd4: {  	s0 =	stileid.u32;
	[bflag:$0x2] =	sbarrier.arrive $0xFFFF  }
0xd5: {  	p0 =	sne.s32 s0, $0x0;
	s0 =	rddreg [dreg:$0x4]  }
0xd6: {  	s0 =	sadd.s32 @!p0 $0x100000, s0  }
0xd7: {  	[sflag:s0] =	ssyncadd.tile.s32 @!p0 $0x1;
	_ =	shalt  }
.Lfunc_end2:
_tile_overlayer_lowered:
.L_overlay_start_2:
0xd8: {  	(tag) =	ssettag $0x2  }
0xd9: {  	s0 =	rddreg [dreg:$0x0];
	s2 =	stileid.u32  }
0xda: {  	s1 =	rddreg [dreg:$0x1];
	p0 =	sne.s32 s2, $0x0  }
0xdb: {  	s3 =	rddreg [dreg:$0x2];
	[bflag:$0x3] =	sbarrier.arrive $0xFFFF;
	s2 =	simm.s32 @!p0 $0x1C05  }
0xdc: {  	[timem:s3], [sflag:s2] =	dma.local @!p0 [hbm:s0], s1  }
0xdd: {  	s0 =	simm.s32 @!p0 $0x5  }
0xde: {  	_ =	swait.ge @!p0 [sflag:s0], s1  }
0xdf: {  	s1 =	ssub.s32 @!p0 $0x0, s1;
	[sflag:s0] =	ssyncset.done @!p0 $0x0  }
0xe0: {  	[sflag:s0] =	ssyncadd.s32 @!p0 s1  }
0xe1: {  	[bflag:$0x3] =	sbarrier.arrive $0xFFFF  }
0xe2: {  	_ =	shalt  }

</sc_bundles>
